<compile_context>
chip_gen: v7x
topology: tpu7x:2x2x1
jax: 0.10.2.dev20260603
libtpu: 0.0.44.dev20260713+nightly
codegen_flags: <defaults>
</compile_context>

<pallas_src>
import functools

import jax
import jax.numpy as jnp
from jax import lax
from jax.experimental import pallas as pl
from jax.experimental.pallas import tpu as pltpu
from jax.experimental.pallas import tpu_sc as plsc

_D = 256
_K = 1024
_COST = 0.25

_BM = 1024
_NW = 32
_CHUNK = 128


def _tc_body(z_ref, e_ref, idx_ref, losssum_ref, counts_ref):
    i = pl.program_id(0)
    z = z_ref[...]
    e = e_ref[...]
    e2row = lax.dot_general(jnp.ones((1, _D), jnp.float32), e * e,
                            (((1,), (1,)), ((), ())),
                            preferred_element_type=jnp.float32,
                            precision=lax.Precision.HIGHEST)
    prod = lax.dot_general(z, e, (((1,), (1,)), ((), ())),
                           preferred_element_type=jnp.float32)
    d = e2row - 2.0 * prod
    minval = jnp.min(d, axis=1)
    idx = jnp.argmin(d, axis=1)
    idx_ref[...] = idx.astype(jnp.int32)

    z2 = jnp.sum(z * z, axis=1)
    part = jnp.sum(minval + z2)
    losssum_ref[0, 0] = jnp.where(i == 0, 0.0, losssum_ref[0, 0]) + part

    mask = (d <= minval[:, None]).astype(jnp.float32)
    csum = lax.dot_general(jnp.ones((1, _BM), jnp.float32), mask,
                           (((1,), (0,)), ((), ())),
                           preferred_element_type=jnp.float32)
    counts_ref[...] = jnp.where(i == 0, jnp.zeros_like(csum),
                                counts_ref[...]) + csum


def _tc_call(z, emb, base_block, rows):
    nb = rows // _BM
    return pl.pallas_call(
        _tc_body,
        grid=(nb,),
        in_specs=[pl.BlockSpec((_BM, _D), lambda i, b=base_block: (i + b, 0)),
                  pl.BlockSpec((_K, _D), lambda i: (0, 0))],
        out_specs=[pl.BlockSpec((_BM,), lambda i: (i,)),
                   pl.BlockSpec(memory_space=pltpu.SMEM),
                   pl.BlockSpec((1, _K), lambda i: (0, 0))],
        out_shape=[jax.ShapeDtypeStruct((rows,), jnp.int32),
                   jax.ShapeDtypeStruct((1, 1), jnp.float32),
                   jax.ShapeDtypeStruct((1, _K), jnp.float32)],
    )(z, emb)


def _fin_body(l0_ref, l1_ref, c0_ref, c1_ref, loss_ref, ppl_ref, *, m_total):
    loss_ref[0, 0] = (l0_ref[0, 0] + l1_ref[0, 0]) * (_COST / (m_total * _D))
    p = (c0_ref[...] + c1_ref[...]) * (1.0 / m_total)
    ppl_ref[0, 0] = jnp.exp(-jnp.sum(p * jnp.log(p + 1e-10)))


def _fin_call(l0, l1, c0, c1, m_total):
    return pl.pallas_call(
        functools.partial(_fin_body, m_total=m_total),
        in_specs=[pl.BlockSpec(memory_space=pltpu.SMEM),
                  pl.BlockSpec(memory_space=pltpu.SMEM),
                  pl.BlockSpec((1, _K), lambda: (0, 0)),
                  pl.BlockSpec((1, _K), lambda: (0, 0))],
        out_specs=[pl.BlockSpec(memory_space=pltpu.SMEM),
                   pl.BlockSpec(memory_space=pltpu.SMEM)],
        out_shape=[jax.ShapeDtypeStruct((1, 1), jnp.float32),
                   jax.ShapeDtypeStruct((1, 1), jnp.float32)],
    )(l0, l1, c0, c1)


def _zq_call(emb, idx):
    b = idx.shape[0]
    bpw = b // _NW
    nchunks = bpw // _CHUNK
    mesh = plsc.VectorSubcoreMesh(core_axis_name="c", subcore_axis_name="s")
    @functools.partial(
        pl.kernel, mesh=mesh,
        out_type=jax.ShapeDtypeStruct((b, _D), jnp.float32),
        scratch_types=[pltpu.VMEM((_CHUNK,), jnp.int32),
                       pltpu.VMEM((_CHUNK,), jnp.int32),
                       pltpu.VMEM((_CHUNK, _D), jnp.float32),
                       pltpu.VMEM((_CHUNK, _D), jnp.float32),
                       pltpu.SemaphoreType.DMA,
                       pltpu.SemaphoreType.DMA,
                       pltpu.SemaphoreType.DMA,
                       pltpu.SemaphoreType.DMA],
    )
    def k(emb_hbm, idx_hbm, out_hbm, idx0, idx1, rows0, rows1,
          gsem0, gsem1, ssem0, ssem1):
        wid = lax.axis_index("s") * 2 + lax.axis_index("c")
        base = wid * bpw
        obase = base
        idx_v = (idx0, idx1)
        rows_v = (rows0, rows1)
        gsem = (gsem0, gsem1)
        ssem = (ssem0, ssem1)
        gathers = [None] * nchunks
        stores = [None] * nchunks
        for j in range(nchunks):
            p = j % 2
            if j >= 2:
                stores[j - 2].wait()
            pltpu.sync_copy(idx_hbm.at[pl.ds(base + j * _CHUNK, _CHUNK)],
                            idx_v[p])
            gathers[j] = pltpu.async_copy(emb_hbm.at[idx_v[p]], rows_v[p],
                                          gsem[p])
            if j >= 1:
                q = (j - 1) % 2
                gathers[j - 1].wait()
                stores[j - 1] = pltpu.async_copy(
                    rows_v[q], out_hbm.at[pl.ds(obase + (j - 1) * _CHUNK, _CHUNK)],
                    ssem[q])
        last = nchunks - 1
        gathers[last].wait()
        stores[last] = pltpu.async_copy(
            rows_v[last % 2], out_hbm.at[pl.ds(obase + last * _CHUNK, _CHUNK)],
            ssem[last % 2])
        stores[last - 1].wait()
        stores[last].wait()

    return k(emb, idx)


def kernel(z, embedding):
    m = z.shape[0]
    mh = m // 2
    idx0, ls0, c0 = _tc_call(z, embedding, 0, mh)
    zq0 = _zq_call(embedding, idx0)
    idx1, ls1, c1 = _tc_call(z, embedding, mh // _BM, mh)
    zq1 = _zq_call(embedding, idx1)
    loss, ppl = _fin_call(ls0, ls1, c0, c1, m)
    buf = jnp.zeros((m, _D), jnp.float32)
    buf = lax.dynamic_update_slice(buf, zq0, (0, 0))
    z_q = lax.dynamic_update_slice(buf, zq1, (mh, 0))
    idx = jnp.concatenate([idx0, idx1])
    return (z_q, loss[0, 0], idx, ppl[0, 0])

# --- scband reference (transcript-rebuilt; emitter-appended) ---
"""Pipeline reference for scband-vector-quantizer-ema-3977139716914 (READ-ONLY COPY).

The authoritative reference and input builder live on the scoring server;
editing this copy changes nothing except your own understanding.
"""

import jax, jax.numpy as jnp
import numpy as np

NUM_EMBEDDINGS = 1024
EMBEDDING_DIM = 256
COMMITMENT_COST = 0.25

def setup_inputs(seed: int = 0) -> dict:
    key = jax.random.key(seed)
    k1, k2 = jax.random.split(key)
    z = jax.random.normal(k1, (32768, EMBEDDING_DIM), dtype=jnp.float32)
    embedding = jax.random.normal(k2, (NUM_EMBEDDINGS, EMBEDDING_DIM), dtype=jnp.float32)
    return {"z": z, "embedding": embedding}

def reference(z, embedding):
    # Eval-mode forward of VectorQuantizerEMA (EMA buffer updates are training-only state mutation)
    D = embedding.shape[1]
    K = embedding.shape[0]
    flat_z = z.reshape(-1, D)
    distances = (jnp.sum(flat_z ** 2, axis=1, keepdims=True)
                 + jnp.sum(embedding ** 2, axis=1)
                 - 2.0 * jnp.matmul(flat_z, embedding.T))
    indices = jnp.argmin(distances, axis=1)
    encodings = jax.nn.one_hot(indices, K, dtype=jnp.float32)
    z_q = jnp.take(embedding, indices, axis=0).reshape(z.shape)
    commitment_loss = jnp.mean((jax.lax.stop_gradient(z_q) - z) ** 2)
    z_q_st = z + jax.lax.stop_gradient(z_q - z)
    avg_probs = jnp.mean(encodings, axis=0)
    perplexity = jnp.exp(-jnp.sum(avg_probs * jnp.log(avg_probs + 1e-10)))
    return (z_q_st, COMMITMENT_COST * commitment_loss, indices.reshape(z.shape[0]), perplexity)

if __name__ == "__main__":
    import jax
    _d = setup_inputs()
    print(jax.jit(kernel)(*tuple(_d.values())))

</pallas_src>

<mosaic_0001>
#map = affine_map<(d0, d1) -> (0, 0)>
#map1 = affine_map<(d0, d1) -> (0)>
module attributes {stable_mosaic.version = 14 : i64} {
  func.func @k(%arg0: i32, %arg1: i32, %arg2: memref<1024x256xf32, #tpu.memory_space<hbm>>, %arg3: memref<16384xi32, #tpu.memory_space<hbm>>, %arg4: memref<16384x256xf32, #tpu.memory_space<hbm>>, %arg5: memref<128xi32, #tpu.memory_space<vmem>>, %arg6: memref<128xi32, #tpu.memory_space<vmem>>, %arg7: memref<128x256xf32, #tpu.memory_space<vmem>>, %arg8: memref<128x256xf32, #tpu.memory_space<vmem>>, %arg9: memref<!tpu.dma_semaphore, #tpu.memory_space<semaphore_mem>>, %arg10: memref<!tpu.dma_semaphore, #tpu.memory_space<semaphore_mem>>, %arg11: memref<!tpu.dma_semaphore, #tpu.memory_space<semaphore_mem>>, %arg12: memref<!tpu.dma_semaphore, #tpu.memory_space<semaphore_mem>>) attributes {dimension_semantics = [#tpu.dimension_semantics<core_parallel>, #tpu.dimension_semantics<subcore_parallel>], iteration_bounds = array<i64: 2, 16>, scalar_prefetch = 0 : i64, scratch_operands = 8 : i64, tpu.core_type = #tpu.core_type<sc_vector_subcore>, window_params = [{transform_indices = #map}, {transform_indices = #map1}, {transform_indices = #map}]} {
    %mul3A = arith.constant 2 : i32
    %mul3A_0 = arith.muli %arg1, %mul3A : i32
    %add3A = arith.addi %mul3A_0, %arg0 : i32
    %mul3A_1 = arith.constant 512 : i32
    %mul3A_2 = arith.muli %add3A, %mul3A_1 : i32
    %add3A_3 = arith.constant 0 : i32
    %add3A_4 = arith.addi %mul3A_2, %add3A_3 : i32
    "tpu.region"() ({
      %run_scoped3A = tpu.sem_alloc : memref<!tpu.dma_semaphore, #tpu.memory_space<semaphore_mem>>
      %dma_start3A_73 = tpu.memref_slice %arg3[%add3A_4] : memref<16384xi32, #tpu.memory_space<hbm>> -> memref<128xi32, #tpu.memory_space<hbm>>
      %dma_start3A_74 = tpu.memref_slice %arg3[%add3A_4] : memref<16384xi32, #tpu.memory_space<hbm>> -> memref<128xi32, #tpu.memory_space<hbm>>
      tpu.enqueue_dma source(%dma_start3A_74 : memref<128xi32, #tpu.memory_space<hbm>>) target(%arg5 : memref<128xi32, #tpu.memory_space<vmem>>) target_semaphore(%run_scoped3A : memref<!tpu.dma_semaphore, #tpu.memory_space<semaphore_mem>>)
      %dma_wait3A_75 = tpu.memref_slice %arg3[%add3A_4] : memref<16384xi32, #tpu.memory_space<hbm>> -> memref<128xi32, #tpu.memory_space<hbm>>
      %dma_wait3A_76 = tpu.memref_slice %arg3[%add3A_4] : memref<16384xi32, #tpu.memory_space<hbm>> -> memref<128xi32, #tpu.memory_space<hbm>>
      tpu.wait_dma2 semaphore(%run_scoped3A : memref<!tpu.dma_semaphore, #tpu.memory_space<semaphore_mem>>) src(%dma_wait3A_76 : memref<128xi32, #tpu.memory_space<hbm>>) dst(%arg5 : memref<128xi32, #tpu.memory_space<vmem>>)
      tpu.yield
    }) : () -> ()
    %dma_start3A = arith.constant 0 : i32
    %dma_start3A_5 = arith.constant 0 : i32
    %dma_start3A_6 = tpu.memref_slice %arg2[%dma_start3A, %dma_start3A_5] : memref<1024x256xf32, #tpu.memory_space<hbm>> -> memref<1024x256xf32, #tpu.memory_space<hbm>>
    tpu.enqueue_indirect_dma source(%dma_start3A_6 : memref<1024x256xf32, #tpu.memory_space<hbm>>) target(%arg7 : memref<128x256xf32, #tpu.memory_space<vmem>>) offsets(%arg5 : memref<128xi32, #tpu.memory_space<vmem>>) semaphore(%arg9 : memref<!tpu.dma_semaphore, #tpu.memory_space<semaphore_mem>>)
    %add3A_7 = arith.constant 128 : i32
    %add3A_8 = arith.addi %mul3A_2, %add3A_7 : i32
    "tpu.region"() ({
      %run_scoped3A = tpu.sem_alloc : memref<!tpu.dma_semaphore, #tpu.memory_space<semaphore_mem>>
      %dma_start3A_73 = tpu.memref_slice %arg3[%add3A_8] : memref<16384xi32, #tpu.memory_space<hbm>> -> memref<128xi32, #tpu.memory_space<hbm>>
      %dma_start3A_74 = tpu.memref_slice %arg3[%add3A_8] : memref<16384xi32, #tpu.memory_space<hbm>> -> memref<128xi32, #tpu.memory_space<hbm>>
      tpu.enqueue_dma source(%dma_start3A_74 : memref<128xi32, #tpu.memory_space<hbm>>) target(%arg6 : memref<128xi32, #tpu.memory_space<vmem>>) target_semaphore(%run_scoped3A : memref<!tpu.dma_semaphore, #tpu.memory_space<semaphore_mem>>)
      %dma_wait3A_75 = tpu.memref_slice %arg3[%add3A_8] : memref<16384xi32, #tpu.memory_space<hbm>> -> memref<128xi32, #tpu.memory_space<hbm>>
      %dma_wait3A_76 = tpu.memref_slice %arg3[%add3A_8] : memref<16384xi32, #tpu.memory_space<hbm>> -> memref<128xi32, #tpu.memory_space<hbm>>
      tpu.wait_dma2 semaphore(%run_scoped3A : memref<!tpu.dma_semaphore, #tpu.memory_space<semaphore_mem>>) src(%dma_wait3A_76 : memref<128xi32, #tpu.memory_space<hbm>>) dst(%arg6 : memref<128xi32, #tpu.memory_space<vmem>>)
      tpu.yield
    }) : () -> ()
    %dma_start3A_9 = arith.constant 0 : i32
    %dma_start3A_10 = arith.constant 0 : i32
    %dma_start3A_11 = tpu.memref_slice %arg2[%dma_start3A_9, %dma_start3A_10] : memref<1024x256xf32, #tpu.memory_space<hbm>> -> memref<1024x256xf32, #tpu.memory_space<hbm>>
    tpu.enqueue_indirect_dma source(%dma_start3A_11 : memref<1024x256xf32, #tpu.memory_space<hbm>>) target(%arg8 : memref<128x256xf32, #tpu.memory_space<vmem>>) offsets(%arg6 : memref<128xi32, #tpu.memory_space<vmem>>) semaphore(%arg10 : memref<!tpu.dma_semaphore, #tpu.memory_space<semaphore_mem>>)
    %dma_wait3A = arith.constant 0 : i32
    %dma_wait3A_12 = arith.constant 0 : i32
    %dma_wait3A_13 = tpu.memref_slice %arg2[%dma_wait3A, %dma_wait3A_12] : memref<1024x256xf32, #tpu.memory_space<hbm>> -> memref<1024x256xf32, #tpu.memory_space<hbm>>
    tpu.wait_indirect_dma semaphore(%arg9 : memref<!tpu.dma_semaphore, #tpu.memory_space<semaphore_mem>>) src(%dma_wait3A_13 : memref<1024x256xf32, #tpu.memory_space<hbm>>) dst(%arg7 : memref<128x256xf32, #tpu.memory_space<vmem>>)
    %add3A_14 = arith.constant 0 : i32
    %add3A_15 = arith.addi %mul3A_2, %add3A_14 : i32
    %dma_start3A_16 = arith.constant 0 : i32
    %dma_start3A_17 = tpu.memref_slice %arg4[%add3A_15, %dma_start3A_16] : memref<16384x256xf32, #tpu.memory_space<hbm>> -> memref<128x256xf32, #tpu.memory_space<hbm>>
    %dma_start3A_18 = arith.constant 0 : i32
    %dma_start3A_19 = tpu.memref_slice %arg4[%add3A_15, %dma_start3A_18] : memref<16384x256xf32, #tpu.memory_space<hbm>> -> memref<128x256xf32, #tpu.memory_space<hbm>>
    tpu.enqueue_dma source(%arg7 : memref<128x256xf32, #tpu.memory_space<vmem>>) target(%dma_start3A_19 : memref<128x256xf32, #tpu.memory_space<hbm>>) target_semaphore(%arg11 : memref<!tpu.dma_semaphore, #tpu.memory_space<semaphore_mem>>)
    %dma_wait3A_20 = arith.constant 0 : i32
    %dma_wait3A_21 = tpu.memref_slice %arg4[%add3A_15, %dma_wait3A_20] : memref<16384x256xf32, #tpu.memory_space<hbm>> -> memref<128x256xf32, #tpu.memory_space<hbm>>
    %dma_wait3A_22 = arith.constant 0 : i32
    %dma_wait3A_23 = tpu.memref_slice %arg4[%add3A_15, %dma_wait3A_22] : memref<16384x256xf32, #tpu.memory_space<hbm>> -> memref<128x256xf32, #tpu.memory_space<hbm>>
    tpu.wait_dma2 semaphore(%arg11 : memref<!tpu.dma_semaphore, #tpu.memory_space<semaphore_mem>>) src(%arg7 : memref<128x256xf32, #tpu.memory_space<vmem>>) dst(%dma_wait3A_23 : memref<128x256xf32, #tpu.memory_space<hbm>>)
    %add3A_24 = arith.constant 256 : i32
    %add3A_25 = arith.addi %mul3A_2, %add3A_24 : i32
    "tpu.region"() ({
      %run_scoped3A = tpu.sem_alloc : memref<!tpu.dma_semaphore, #tpu.memory_space<semaphore_mem>>
      %dma_start3A_73 = tpu.memref_slice %arg3[%add3A_25] : memref<16384xi32, #tpu.memory_space<hbm>> -> memref<128xi32, #tpu.memory_space<hbm>>
      %dma_start3A_74 = tpu.memref_slice %arg3[%add3A_25] : memref<16384xi32, #tpu.memory_space<hbm>> -> memref<128xi32, #tpu.memory_space<hbm>>
      tpu.enqueue_dma source(%dma_start3A_74 : memref<128xi32, #tpu.memory_space<hbm>>) target(%arg5 : memref<128xi32, #tpu.memory_space<vmem>>) target_semaphore(%run_scoped3A : memref<!tpu.dma_semaphore, #tpu.memory_space<semaphore_mem>>)
      %dma_wait3A_75 = tpu.memref_slice %arg3[%add3A_25] : memref<16384xi32, #tpu.memory_space<hbm>> -> memref<128xi32, #tpu.memory_space<hbm>>
      %dma_wait3A_76 = tpu.memref_slice %arg3[%add3A_25] : memref<16384xi32, #tpu.memory_space<hbm>> -> memref<128xi32, #tpu.memory_space<hbm>>
      tpu.wait_dma2 semaphore(%run_scoped3A : memref<!tpu.dma_semaphore, #tpu.memory_space<semaphore_mem>>) src(%dma_wait3A_76 : memref<128xi32, #tpu.memory_space<hbm>>) dst(%arg5 : memref<128xi32, #tpu.memory_space<vmem>>)
      tpu.yield
    }) : () -> ()
    %dma_start3A_26 = arith.constant 0 : i32
    %dma_start3A_27 = arith.constant 0 : i32
    %dma_start3A_28 = tpu.memref_slice %arg2[%dma_start3A_26, %dma_start3A_27] : memref<1024x256xf32, #tpu.memory_space<hbm>> -> memref<1024x256xf32, #tpu.memory_space<hbm>>
    tpu.enqueue_indirect_dma source(%dma_start3A_28 : memref<1024x256xf32, #tpu.memory_space<hbm>>) target(%arg7 : memref<128x256xf32, #tpu.memory_space<vmem>>) offsets(%arg5 : memref<128xi32, #tpu.memory_space<vmem>>) semaphore(%arg9 : memref<!tpu.dma_semaphore, #tpu.memory_space<semaphore_mem>>)
    %dma_wait3A_29 = arith.constant 0 : i32
    %dma_wait3A_30 = arith.constant 0 : i32
    %dma_wait3A_31 = tpu.memref_slice %arg2[%dma_wait3A_29, %dma_wait3A_30] : memref<1024x256xf32, #tpu.memory_space<hbm>> -> memref<1024x256xf32, #tpu.memory_space<hbm>>
    tpu.wait_indirect_dma semaphore(%arg10 : memref<!tpu.dma_semaphore, #tpu.memory_space<semaphore_mem>>) src(%dma_wait3A_31 : memref<1024x256xf32, #tpu.memory_space<hbm>>) dst(%arg8 : memref<128x256xf32, #tpu.memory_space<vmem>>)
    %add3A_32 = arith.constant 128 : i32
    %add3A_33 = arith.addi %mul3A_2, %add3A_32 : i32
    %dma_start3A_34 = arith.constant 0 : i32
    %dma_start3A_35 = tpu.memref_slice %arg4[%add3A_33, %dma_start3A_34] : memref<16384x256xf32, #tpu.memory_space<hbm>> -> memref<128x256xf32, #tpu.memory_space<hbm>>
    %dma_start3A_36 = arith.constant 0 : i32
    %dma_start3A_37 = tpu.memref_slice %arg4[%add3A_33, %dma_start3A_36] : memref<16384x256xf32, #tpu.memory_space<hbm>> -> memref<128x256xf32, #tpu.memory_space<hbm>>
    tpu.enqueue_dma source(%arg8 : memref<128x256xf32, #tpu.memory_space<vmem>>) target(%dma_start3A_37 : memref<128x256xf32, #tpu.memory_space<hbm>>) target_semaphore(%arg12 : memref<!tpu.dma_semaphore, #tpu.memory_space<semaphore_mem>>)
    %dma_wait3A_38 = arith.constant 0 : i32
    %dma_wait3A_39 = tpu.memref_slice %arg4[%add3A_33, %dma_wait3A_38] : memref<16384x256xf32, #tpu.memory_space<hbm>> -> memref<128x256xf32, #tpu.memory_space<hbm>>
    %dma_wait3A_40 = arith.constant 0 : i32
    %dma_wait3A_41 = tpu.memref_slice %arg4[%add3A_33, %dma_wait3A_40] : memref<16384x256xf32, #tpu.memory_space<hbm>> -> memref<128x256xf32, #tpu.memory_space<hbm>>
    tpu.wait_dma2 semaphore(%arg12 : memref<!tpu.dma_semaphore, #tpu.memory_space<semaphore_mem>>) src(%arg8 : memref<128x256xf32, #tpu.memory_space<vmem>>) dst(%dma_wait3A_41 : memref<128x256xf32, #tpu.memory_space<hbm>>)
    %add3A_42 = arith.constant 384 : i32
    %add3A_43 = arith.addi %mul3A_2, %add3A_42 : i32
    "tpu.region"() ({
      %run_scoped3A = tpu.sem_alloc : memref<!tpu.dma_semaphore, #tpu.memory_space<semaphore_mem>>
      %dma_start3A_73 = tpu.memref_slice %arg3[%add3A_43] : memref<16384xi32, #tpu.memory_space<hbm>> -> memref<128xi32, #tpu.memory_space<hbm>>
      %dma_start3A_74 = tpu.memref_slice %arg3[%add3A_43] : memref<16384xi32, #tpu.memory_space<hbm>> -> memref<128xi32, #tpu.memory_space<hbm>>
      tpu.enqueue_dma source(%dma_start3A_74 : memref<128xi32, #tpu.memory_space<hbm>>) target(%arg6 : memref<128xi32, #tpu.memory_space<vmem>>) target_semaphore(%run_scoped3A : memref<!tpu.dma_semaphore, #tpu.memory_space<semaphore_mem>>)
      %dma_wait3A_75 = tpu.memref_slice %arg3[%add3A_43] : memref<16384xi32, #tpu.memory_space<hbm>> -> memref<128xi32, #tpu.memory_space<hbm>>
      %dma_wait3A_76 = tpu.memref_slice %arg3[%add3A_43] : memref<16384xi32, #tpu.memory_space<hbm>> -> memref<128xi32, #tpu.memory_space<hbm>>
      tpu.wait_dma2 semaphore(%run_scoped3A : memref<!tpu.dma_semaphore, #tpu.memory_space<semaphore_mem>>) src(%dma_wait3A_76 : memref<128xi32, #tpu.memory_space<hbm>>) dst(%arg6 : memref<128xi32, #tpu.memory_space<vmem>>)
      tpu.yield
    }) : () -> ()
    %dma_start3A_44 = arith.constant 0 : i32
    %dma_start3A_45 = arith.constant 0 : i32
    %dma_start3A_46 = tpu.memref_slice %arg2[%dma_start3A_44, %dma_start3A_45] : memref<1024x256xf32, #tpu.memory_space<hbm>> -> memref<1024x256xf32, #tpu.memory_space<hbm>>
    tpu.enqueue_indirect_dma source(%dma_start3A_46 : memref<1024x256xf32, #tpu.memory_space<hbm>>) target(%arg8 : memref<128x256xf32, #tpu.memory_space<vmem>>) offsets(%arg6 : memref<128xi32, #tpu.memory_space<vmem>>) semaphore(%arg10 : memref<!tpu.dma_semaphore, #tpu.memory_space<semaphore_mem>>)
    %dma_wait3A_47 = arith.constant 0 : i32
    %dma_wait3A_48 = arith.constant 0 : i32
    %dma_wait3A_49 = tpu.memref_slice %arg2[%dma_wait3A_47, %dma_wait3A_48] : memref<1024x256xf32, #tpu.memory_space<hbm>> -> memref<1024x256xf32, #tpu.memory_space<hbm>>
    tpu.wait_indirect_dma semaphore(%arg9 : memref<!tpu.dma_semaphore, #tpu.memory_space<semaphore_mem>>) src(%dma_wait3A_49 : memref<1024x256xf32, #tpu.memory_space<hbm>>) dst(%arg7 : memref<128x256xf32, #tpu.memory_space<vmem>>)
    %add3A_50 = arith.constant 256 : i32
    %add3A_51 = arith.addi %mul3A_2, %add3A_50 : i32
    %dma_start3A_52 = arith.constant 0 : i32
    %dma_start3A_53 = tpu.memref_slice %arg4[%add3A_51, %dma_start3A_52] : memref<16384x256xf32, #tpu.memory_space<hbm>> -> memref<128x256xf32, #tpu.memory_space<hbm>>
    %dma_start3A_54 = arith.constant 0 : i32
    %dma_start3A_55 = tpu.memref_slice %arg4[%add3A_51, %dma_start3A_54] : memref<16384x256xf32, #tpu.memory_space<hbm>> -> memref<128x256xf32, #tpu.memory_space<hbm>>
    tpu.enqueue_dma source(%arg7 : memref<128x256xf32, #tpu.memory_space<vmem>>) target(%dma_start3A_55 : memref<128x256xf32, #tpu.memory_space<hbm>>) target_semaphore(%arg11 : memref<!tpu.dma_semaphore, #tpu.memory_space<semaphore_mem>>)
    %dma_wait3A_56 = arith.constant 0 : i32
    %dma_wait3A_57 = arith.constant 0 : i32
    %dma_wait3A_58 = tpu.memref_slice %arg2[%dma_wait3A_56, %dma_wait3A_57] : memref<1024x256xf32, #tpu.memory_space<hbm>> -> memref<1024x256xf32, #tpu.memory_space<hbm>>
    tpu.wait_indirect_dma semaphore(%arg10 : memref<!tpu.dma_semaphore, #tpu.memory_space<semaphore_mem>>) src(%dma_wait3A_58 : memref<1024x256xf32, #tpu.memory_space<hbm>>) dst(%arg8 : memref<128x256xf32, #tpu.memory_space<vmem>>)
    %add3A_59 = arith.constant 384 : i32
    %add3A_60 = arith.addi %mul3A_2, %add3A_59 : i32
    %dma_start3A_61 = arith.constant 0 : i32
    %dma_start3A_62 = tpu.memref_slice %arg4[%add3A_60, %dma_start3A_61] : memref<16384x256xf32, #tpu.memory_space<hbm>> -> memref<128x256xf32, #tpu.memory_space<hbm>>
    %dma_start3A_63 = arith.constant 0 : i32
    %dma_start3A_64 = tpu.memref_slice %arg4[%add3A_60, %dma_start3A_63] : memref<16384x256xf32, #tpu.memory_space<hbm>> -> memref<128x256xf32, #tpu.memory_space<hbm>>
    tpu.enqueue_dma source(%arg8 : memref<128x256xf32, #tpu.memory_space<vmem>>) target(%dma_start3A_64 : memref<128x256xf32, #tpu.memory_space<hbm>>) target_semaphore(%arg12 : memref<!tpu.dma_semaphore, #tpu.memory_space<semaphore_mem>>)
    %dma_wait3A_65 = arith.constant 0 : i32
    %dma_wait3A_66 = tpu.memref_slice %arg4[%add3A_51, %dma_wait3A_65] : memref<16384x256xf32, #tpu.memory_space<hbm>> -> memref<128x256xf32, #tpu.memory_space<hbm>>
    %dma_wait3A_67 = arith.constant 0 : i32
    %dma_wait3A_68 = tpu.memref_slice %arg4[%add3A_51, %dma_wait3A_67] : memref<16384x256xf32, #tpu.memory_space<hbm>> -> memref<128x256xf32, #tpu.memory_space<hbm>>
    tpu.wait_dma2 semaphore(%arg11 : memref<!tpu.dma_semaphore, #tpu.memory_space<semaphore_mem>>) src(%arg7 : memref<128x256xf32, #tpu.memory_space<vmem>>) dst(%dma_wait3A_68 : memref<128x256xf32, #tpu.memory_space<hbm>>)
    %dma_wait3A_69 = arith.constant 0 : i32
    %dma_wait3A_70 = tpu.memref_slice %arg4[%add3A_60, %dma_wait3A_69] : memref<16384x256xf32, #tpu.memory_space<hbm>> -> memref<128x256xf32, #tpu.memory_space<hbm>>
    %dma_wait3A_71 = arith.constant 0 : i32
    %dma_wait3A_72 = tpu.memref_slice %arg4[%add3A_60, %dma_wait3A_71] : memref<16384x256xf32, #tpu.memory_space<hbm>> -> memref<128x256xf32, #tpu.memory_space<hbm>>
    tpu.wait_dma2 semaphore(%arg12 : memref<!tpu.dma_semaphore, #tpu.memory_space<semaphore_mem>>) src(%arg8 : memref<128x256xf32, #tpu.memory_space<vmem>>) dst(%dma_wait3A_72 : memref<128x256xf32, #tpu.memory_space<hbm>>)
    return
  }
}

#map = affine_map<(d0, d1) -> (0, 0)>
#map1 = affine_map<(d0, d1) -> (0)>
module attributes {stable_mosaic.version = 14 : i64} {
  func.func @k(%arg0: i32, %arg1: i32, %arg2: memref<1024x256xf32, #tpu.memory_space<hbm>>, %arg3: memref<16384xi32, #tpu.memory_space<hbm>>, %arg4: memref<16384x256xf32, #tpu.memory_space<hbm>>, %arg5: memref<128xi32, #tpu.memory_space<vmem>>, %arg6: memref<128xi32, #tpu.memory_space<vmem>>, %arg7: memref<128x256xf32, #tpu.memory_space<vmem>>, %arg8: memref<128x256xf32, #tpu.memory_space<vmem>>, %arg9: memref<!tpu.dma_semaphore, #tpu.memory_space<semaphore_mem>>, %arg10: memref<!tpu.dma_semaphore, #tpu.memory_space<semaphore_mem>>, %arg11: memref<!tpu.dma_semaphore, #tpu.memory_space<semaphore_mem>>, %arg12: memref<!tpu.dma_semaphore, #tpu.memory_space<semaphore_mem>>) attributes {dimension_semantics = [#tpu.dimension_semantics<core_parallel>, #tpu.dimension_semantics<subcore_parallel>], iteration_bounds = array<i64: 2, 16>, scalar_prefetch = 0 : i64, scratch_operands = 8 : i64, tpu.core_type = #tpu.core_type<sc_vector_subcore>, window_params = [{transform_indices = #map}, {transform_indices = #map1}, {transform_indices = #map}]} {
    %mul3A = arith.constant 2 : i32
    %mul3A_0 = arith.muli %arg1, %mul3A : i32
    %add3A = arith.addi %mul3A_0, %arg0 : i32
    %mul3A_1 = arith.constant 512 : i32
    %mul3A_2 = arith.muli %add3A, %mul3A_1 : i32
    %add3A_3 = arith.constant 0 : i32
    %add3A_4 = arith.addi %mul3A_2, %add3A_3 : i32
    "tpu.region"() ({
      %run_scoped3A = tpu.sem_alloc : memref<!tpu.dma_semaphore, #tpu.memory_space<semaphore_mem>>
      %dma_start3A_73 = tpu.memref_slice %arg3[%add3A_4] : memref<16384xi32, #tpu.memory_space<hbm>> -> memref<128xi32, #tpu.memory_space<hbm>>
      %dma_start3A_74 = tpu.memref_slice %arg3[%add3A_4] : memref<16384xi32, #tpu.memory_space<hbm>> -> memref<128xi32, #tpu.memory_space<hbm>>
      tpu.enqueue_dma source(%dma_start3A_74 : memref<128xi32, #tpu.memory_space<hbm>>) target(%arg5 : memref<128xi32, #tpu.memory_space<vmem>>) target_semaphore(%run_scoped3A : memref<!tpu.dma_semaphore, #tpu.memory_space<semaphore_mem>>)
      %dma_wait3A_75 = tpu.memref_slice %arg3[%add3A_4] : memref<16384xi32, #tpu.memory_space<hbm>> -> memref<128xi32, #tpu.memory_space<hbm>>
      %dma_wait3A_76 = tpu.memref_slice %arg3[%add3A_4] : memref<16384xi32, #tpu.memory_space<hbm>> -> memref<128xi32, #tpu.memory_space<hbm>>
      tpu.wait_dma2 semaphore(%run_scoped3A : memref<!tpu.dma_semaphore, #tpu.memory_space<semaphore_mem>>) src(%dma_wait3A_76 : memref<128xi32, #tpu.memory_space<hbm>>) dst(%arg5 : memref<128xi32, #tpu.memory_space<vmem>>)
      tpu.yield
    }) : () -> ()
    %dma_start3A = arith.constant 0 : i32
    %dma_start3A_5 = arith.constant 0 : i32
    %dma_start3A_6 = tpu.memref_slice %arg2[%dma_start3A, %dma_start3A_5] : memref<1024x256xf32, #tpu.memory_space<hbm>> -> memref<1024x256xf32, #tpu.memory_space<hbm>>
    tpu.enqueue_indirect_dma source(%dma_start3A_6 : memref<1024x256xf32, #tpu.memory_space<hbm>>) target(%arg7 : memref<128x256xf32, #tpu.memory_space<vmem>>) offsets(%arg5 : memref<128xi32, #tpu.memory_space<vmem>>) semaphore(%arg9 : memref<!tpu.dma_semaphore, #tpu.memory_space<semaphore_mem>>)
    %add3A_7 = arith.constant 128 : i32
    %add3A_8 = arith.addi %mul3A_2, %add3A_7 : i32
    "tpu.region"() ({
      %run_scoped3A = tpu.sem_alloc : memref<!tpu.dma_semaphore, #tpu.memory_space<semaphore_mem>>
      %dma_start3A_73 = tpu.memref_slice %arg3[%add3A_8] : memref<16384xi32, #tpu.memory_space<hbm>> -> memref<128xi32, #tpu.memory_space<hbm>>
      %dma_start3A_74 = tpu.memref_slice %arg3[%add3A_8] : memref<16384xi32, #tpu.memory_space<hbm>> -> memref<128xi32, #tpu.memory_space<hbm>>
      tpu.enqueue_dma source(%dma_start3A_74 : memref<128xi32, #tpu.memory_space<hbm>>) target(%arg6 : memref<128xi32, #tpu.memory_space<vmem>>) target_semaphore(%run_scoped3A : memref<!tpu.dma_semaphore, #tpu.memory_space<semaphore_mem>>)
      %dma_wait3A_75 = tpu.memref_slice %arg3[%add3A_8] : memref<16384xi32, #tpu.memory_space<hbm>> -> memref<128xi32, #tpu.memory_space<hbm>>
      %dma_wait3A_76 = tpu.memref_slice %arg3[%add3A_8] : memref<16384xi32, #tpu.memory_space<hbm>> -> memref<128xi32, #tpu.memory_space<hbm>>
      tpu.wait_dma2 semaphore(%run_scoped3A : memref<!tpu.dma_semaphore, #tpu.memory_space<semaphore_mem>>) src(%dma_wait3A_76 : memref<128xi32, #tpu.memory_space<hbm>>) dst(%arg6 : memref<128xi32, #tpu.memory_space<vmem>>)
      tpu.yield
    }) : () -> ()
    %dma_start3A_9 = arith.constant 0 : i32
    %dma_start3A_10 = arith.constant 0 : i32
    %dma_start3A_11 = tpu.memref_slice %arg2[%dma_start3A_9, %dma_start3A_10] : memref<1024x256xf32, #tpu.memory_space<hbm>> -> memref<1024x256xf32, #tpu.memory_space<hbm>>
    tpu.enqueue_indirect_dma source(%dma_start3A_11 : memref<1024x256xf32, #tpu.memory_space<hbm>>) target(%arg8 : memref<128x256xf32, #tpu.memory_space<vmem>>) offsets(%arg6 : memref<128xi32, #tpu.memory_space<vmem>>) semaphore(%arg10 : memref<!tpu.dma_semaphore, #tpu.memory_space<semaphore_mem>>)
    %dma_wait3A = arith.constant 0 : i32
    %dma_wait3A_12 = arith.constant 0 : i32
    %dma_wait3A_13 = tpu.memref_slice %arg2[%dma_wait3A, %dma_wait3A_12] : memref<1024x256xf32, #tpu.memory_space<hbm>> -> memref<1024x256xf32, #tpu.memory_space<hbm>>
    tpu.wait_indirect_dma semaphore(%arg9 : memref<!tpu.dma_semaphore, #tpu.memory_space<semaphore_mem>>) src(%dma_wait3A_13 : memref<1024x256xf32, #tpu.memory_space<hbm>>) dst(%arg7 : memref<128x256xf32, #tpu.memory_space<vmem>>)
    %add3A_14 = arith.constant 0 : i32
    %add3A_15 = arith.addi %mul3A_2, %add3A_14 : i32
    %dma_start3A_16 = arith.constant 0 : i32
    %dma_start3A_17 = tpu.memref_slice %arg4[%add3A_15, %dma_start3A_16] : memref<16384x256xf32, #tpu.memory_space<hbm>> -> memref<128x256xf32, #tpu.memory_space<hbm>>
    %dma_start3A_18 = arith.constant 0 : i32
    %dma_start3A_19 = tpu.memref_slice %arg4[%add3A_15, %dma_start3A_18] : memref<16384x256xf32, #tpu.memory_space<hbm>> -> memref<128x256xf32, #tpu.memory_space<hbm>>
    tpu.enqueue_dma source(%arg7 : memref<128x256xf32, #tpu.memory_space<vmem>>) target(%dma_start3A_19 : memref<128x256xf32, #tpu.memory_space<hbm>>) target_semaphore(%arg11 : memref<!tpu.dma_semaphore, #tpu.memory_space<semaphore_mem>>)
    %dma_wait3A_20 = arith.constant 0 : i32
    %dma_wait3A_21 = tpu.memref_slice %arg4[%add3A_15, %dma_wait3A_20] : memref<16384x256xf32, #tpu.memory_space<hbm>> -> memref<128x256xf32, #tpu.memory_space<hbm>>
    %dma_wait3A_22 = arith.constant 0 : i32
    %dma_wait3A_23 = tpu.memref_slice %arg4[%add3A_15, %dma_wait3A_22] : memref<16384x256xf32, #tpu.memory_space<hbm>> -> memref<128x256xf32, #tpu.memory_space<hbm>>
    tpu.wait_dma2 semaphore(%arg11 : memref<!tpu.dma_semaphore, #tpu.memory_space<semaphore_mem>>) src(%arg7 : memref<128x256xf32, #tpu.memory_space<vmem>>) dst(%dma_wait3A_23 : memref<128x256xf32, #tpu.memory_space<hbm>>)
    %add3A_24 = arith.constant 256 : i32
    %add3A_25 = arith.addi %mul3A_2, %add3A_24 : i32
    "tpu.region"() ({
      %run_scoped3A = tpu.sem_alloc : memref<!tpu.dma_semaphore, #tpu.memory_space<semaphore_mem>>
      %dma_start3A_73 = tpu.memref_slice %arg3[%add3A_25] : memref<16384xi32, #tpu.memory_space<hbm>> -> memref<128xi32, #tpu.memory_space<hbm>>
      %dma_start3A_74 = tpu.memref_slice %arg3[%add3A_25] : memref<16384xi32, #tpu.memory_space<hbm>> -> memref<128xi32, #tpu.memory_space<hbm>>
      tpu.enqueue_dma source(%dma_start3A_74 : memref<128xi32, #tpu.memory_space<hbm>>) target(%arg5 : memref<128xi32, #tpu.memory_space<vmem>>) target_semaphore(%run_scoped3A : memref<!tpu.dma_semaphore, #tpu.memory_space<semaphore_mem>>)
      %dma_wait3A_75 = tpu.memref_slice %arg3[%add3A_25] : memref<16384xi32, #tpu.memory_space<hbm>> -> memref<128xi32, #tpu.memory_space<hbm>>
      %dma_wait3A_76 = tpu.memref_slice %arg3[%add3A_25] : memref<16384xi32, #tpu.memory_space<hbm>> -> memref<128xi32, #tpu.memory_space<hbm>>
      tpu.wait_dma2 semaphore(%run_scoped3A : memref<!tpu.dma_semaphore, #tpu.memory_space<semaphore_mem>>) src(%dma_wait3A_76 : memref<128xi32, #tpu.memory_space<hbm>>) dst(%arg5 : memref<128xi32, #tpu.memory_space<vmem>>)
      tpu.yield
    }) : () -> ()
    %dma_start3A_26 = arith.constant 0 : i32
    %dma_start3A_27 = arith.constant 0 : i32
    %dma_start3A_28 = tpu.memref_slice %arg2[%dma_start3A_26, %dma_start3A_27] : memref<1024x256xf32, #tpu.memory_space<hbm>> -> memref<1024x256xf32, #tpu.memory_space<hbm>>
    tpu.enqueue_indirect_dma source(%dma_start3A_28 : memref<1024x256xf32, #tpu.memory_space<hbm>>) target(%arg7 : memref<128x256xf32, #tpu.memory_space<vmem>>) offsets(%arg5 : memref<128xi32, #tpu.memory_space<vmem>>) semaphore(%arg9 : memref<!tpu.dma_semaphore, #tpu.memory_space<semaphore_mem>>)
    %dma_wait3A_29 = arith.constant 0 : i32
    %dma_wait3A_30 = arith.constant 0 : i32
    %dma_wait3A_31 = tpu.memref_slice %arg2[%dma_wait3A_29, %dma_wait3A_30] : memref<1024x256xf32, #tpu.memory_space<hbm>> -> memref<1024x256xf32, #tpu.memory_space<hbm>>
    tpu.wait_indirect_dma semaphore(%arg10 : memref<!tpu.dma_semaphore, #tpu.memory_space<semaphore_mem>>) src(%dma_wait3A_31 : memref<1024x256xf32, #tpu.memory_space<hbm>>) dst(%arg8 : memref<128x256xf32, #tpu.memory_space<vmem>>)
    %add3A_32 = arith.constant 128 : i32
    %add3A_33 = arith.addi %mul3A_2, %add3A_32 : i32
    %dma_start3A_34 = arith.constant 0 : i32
    %dma_start3A_35 = tpu.memref_slice %arg4[%add3A_33, %dma_start3A_34] : memref<16384x256xf32, #tpu.memory_space<hbm>> -> memref<128x256xf32, #tpu.memory_space<hbm>>
    %dma_start3A_36 = arith.constant 0 : i32
    %dma_start3A_37 = tpu.memref_slice %arg4[%add3A_33, %dma_start3A_36] : memref<16384x256xf32, #tpu.memory_space<hbm>> -> memref<128x256xf32, #tpu.memory_space<hbm>>
    tpu.enqueue_dma source(%arg8 : memref<128x256xf32, #tpu.memory_space<vmem>>) target(%dma_start3A_37 : memref<128x256xf32, #tpu.memory_space<hbm>>) target_semaphore(%arg12 : memref<!tpu.dma_semaphore, #tpu.memory_space<semaphore_mem>>)
    %dma_wait3A_38 = arith.constant 0 : i32
    %dma_wait3A_39 = tpu.memref_slice %arg4[%add3A_33, %dma_wait3A_38] : memref<16384x256xf32, #tpu.memory_space<hbm>> -> memref<128x256xf32, #tpu.memory_space<hbm>>
    %dma_wait3A_40 = arith.constant 0 : i32
    %dma_wait3A_41 = tpu.memref_slice %arg4[%add3A_33, %dma_wait3A_40] : memref<16384x256xf32, #tpu.memory_space<hbm>> -> memref<128x256xf32, #tpu.memory_space<hbm>>
    tpu.wait_dma2 semaphore(%arg12 : memref<!tpu.dma_semaphore, #tpu.memory_space<semaphore_mem>>) src(%arg8 : memref<128x256xf32, #tpu.memory_space<vmem>>) dst(%dma_wait3A_41 : memref<128x256xf32, #tpu.memory_space<hbm>>)
    %add3A_42 = arith.constant 384 : i32
    %add3A_43 = arith.addi %mul3A_2, %add3A_42 : i32
    "tpu.region"() ({
      %run_scoped3A = tpu.sem_alloc : memref<!tpu.dma_semaphore, #tpu.memory_space<semaphore_mem>>
      %dma_start3A_73 = tpu.memref_slice %arg3[%add3A_43] : memref<16384xi32, #tpu.memory_space<hbm>> -> memref<128xi32, #tpu.memory_space<hbm>>
      %dma_start3A_74 = tpu.memref_slice %arg3[%add3A_43] : memref<16384xi32, #tpu.memory_space<hbm>> -> memref<128xi32, #tpu.memory_space<hbm>>
      tpu.enqueue_dma source(%dma_start3A_74 : memref<128xi32, #tpu.memory_space<hbm>>) target(%arg6 : memref<128xi32, #tpu.memory_space<vmem>>) target_semaphore(%run_scoped3A : memref<!tpu.dma_semaphore, #tpu.memory_space<semaphore_mem>>)
      %dma_wait3A_75 = tpu.memref_slice %arg3[%add3A_43] : memref<16384xi32, #tpu.memory_space<hbm>> -> memref<128xi32, #tpu.memory_space<hbm>>
      %dma_wait3A_76 = tpu.memref_slice %arg3[%add3A_43] : memref<16384xi32, #tpu.memory_space<hbm>> -> memref<128xi32, #tpu.memory_space<hbm>>
      tpu.wait_dma2 semaphore(%run_scoped3A : memref<!tpu.dma_semaphore, #tpu.memory_space<semaphore_mem>>) src(%dma_wait3A_76 : memref<128xi32, #tpu.memory_space<hbm>>) dst(%arg6 : memref<128xi32, #tpu.memory_space<vmem>>)
      tpu.yield
    }) : () -> ()
    %dma_start3A_44 = arith.constant 0 : i32
    %dma_start3A_45 = arith.constant 0 : i32
    %dma_start3A_46 = tpu.memref_slice %arg2[%dma_start3A_44, %dma_start3A_45] : memref<1024x256xf32, #tpu.memory_space<hbm>> -> memref<1024x256xf32, #tpu.memory_space<hbm>>
    tpu.enqueue_indirect_dma source(%dma_start3A_46 : memref<1024x256xf32, #tpu.memory_space<hbm>>) target(%arg8 : memref<128x256xf32, #tpu.memory_space<vmem>>) offsets(%arg6 : memref<128xi32, #tpu.memory_space<vmem>>) semaphore(%arg10 : memref<!tpu.dma_semaphore, #tpu.memory_space<semaphore_mem>>)
    %dma_wait3A_47 = arith.constant 0 : i32
    %dma_wait3A_48 = arith.constant 0 : i32
    %dma_wait3A_49 = tpu.memref_slice %arg2[%dma_wait3A_47, %dma_wait3A_48] : memref<1024x256xf32, #tpu.memory_space<hbm>> -> memref<1024x256xf32, #tpu.memory_space<hbm>>
    tpu.wait_indirect_dma semaphore(%arg9 : memref<!tpu.dma_semaphore, #tpu.memory_space<semaphore_mem>>) src(%dma_wait3A_49 : memref<1024x256xf32, #tpu.memory_space<hbm>>) dst(%arg7 : memref<128x256xf32, #tpu.memory_space<vmem>>)
    %add3A_50 = arith.constant 256 : i32
    %add3A_51 = arith.addi %mul3A_2, %add3A_50 : i32
    %dma_start3A_52 = arith.constant 0 : i32
    %dma_start3A_53 = tpu.memref_slice %arg4[%add3A_51, %dma_start3A_52] : memref<16384x256xf32, #tpu.memory_space<hbm>> -> memref<128x256xf32, #tpu.memory_space<hbm>>
    %dma_start3A_54 = arith.constant 0 : i32
    %dma_start3A_55 = tpu.memref_slice %arg4[%add3A_51, %dma_start3A_54] : memref<16384x256xf32, #tpu.memory_space<hbm>> -> memref<128x256xf32, #tpu.memory_space<hbm>>
    tpu.enqueue_dma source(%arg7 : memref<128x256xf32, #tpu.memory_space<vmem>>) target(%dma_start3A_55 : memref<128x256xf32, #tpu.memory_space<hbm>>) target_semaphore(%arg11 : memref<!tpu.dma_semaphore, #tpu.memory_space<semaphore_mem>>)
    %dma_wait3A_56 = arith.constant 0 : i32
    %dma_wait3A_57 = arith.constant 0 : i32
    %dma_wait3A_58 = tpu.memref_slice %arg2[%dma_wait3A_56, %dma_wait3A_57] : memref<1024x256xf32, #tpu.memory_space<hbm>> -> memref<1024x256xf32, #tpu.memory_space<hbm>>
    tpu.wait_indirect_dma semaphore(%arg10 : memref<!tpu.dma_semaphore, #tpu.memory_space<semaphore_mem>>) src(%dma_wait3A_58 : memref<1024x256xf32, #tpu.memory_space<hbm>>) dst(%arg8 : memref<128x256xf32, #tpu.memory_space<vmem>>)
    %add3A_59 = arith.constant 384 : i32
    %add3A_60 = arith.addi %mul3A_2, %add3A_59 : i32
    %dma_start3A_61 = arith.constant 0 : i32
    %dma_start3A_62 = tpu.memref_slice %arg4[%add3A_60, %dma_start3A_61] : memref<16384x256xf32, #tpu.memory_space<hbm>> -> memref<128x256xf32, #tpu.memory_space<hbm>>
    %dma_start3A_63 = arith.constant 0 : i32
    %dma_start3A_64 = tpu.memref_slice %arg4[%add3A_60, %dma_start3A_63] : memref<16384x256xf32, #tpu.memory_space<hbm>> -> memref<128x256xf32, #tpu.memory_space<hbm>>
    tpu.enqueue_dma source(%arg8 : memref<128x256xf32, #tpu.memory_space<vmem>>) target(%dma_start3A_64 : memref<128x256xf32, #tpu.memory_space<hbm>>) target_semaphore(%arg12 : memref<!tpu.dma_semaphore, #tpu.memory_space<semaphore_mem>>)
    %dma_wait3A_65 = arith.constant 0 : i32
    %dma_wait3A_66 = tpu.memref_slice %arg4[%add3A_51, %dma_wait3A_65] : memref<16384x256xf32, #tpu.memory_space<hbm>> -> memref<128x256xf32, #tpu.memory_space<hbm>>
    %dma_wait3A_67 = arith.constant 0 : i32
    %dma_wait3A_68 = tpu.memref_slice %arg4[%add3A_51, %dma_wait3A_67] : memref<16384x256xf32, #tpu.memory_space<hbm>> -> memref<128x256xf32, #tpu.memory_space<hbm>>
    tpu.wait_dma2 semaphore(%arg11 : memref<!tpu.dma_semaphore, #tpu.memory_space<semaphore_mem>>) src(%arg7 : memref<128x256xf32, #tpu.memory_space<vmem>>) dst(%dma_wait3A_68 : memref<128x256xf32, #tpu.memory_space<hbm>>)
    %dma_wait3A_69 = arith.constant 0 : i32
    %dma_wait3A_70 = tpu.memref_slice %arg4[%add3A_60, %dma_wait3A_69] : memref<16384x256xf32, #tpu.memory_space<hbm>> -> memref<128x256xf32, #tpu.memory_space<hbm>>
    %dma_wait3A_71 = arith.constant 0 : i32
    %dma_wait3A_72 = tpu.memref_slice %arg4[%add3A_60, %dma_wait3A_71] : memref<16384x256xf32, #tpu.memory_space<hbm>> -> memref<128x256xf32, #tpu.memory_space<hbm>>
    tpu.wait_dma2 semaphore(%arg12 : memref<!tpu.dma_semaphore, #tpu.memory_space<semaphore_mem>>) src(%arg8 : memref<128x256xf32, #tpu.memory_space<vmem>>) dst(%dma_wait3A_72 : memref<128x256xf32, #tpu.memory_space<hbm>>)
    return
  }
}

module attributes {stable_mosaic.version = 14 : i64} {
  func.func @_fin_body(%arg0: memref<1x1xf32, #tpu.memory_space<smem>>, %arg1: memref<1x1xf32, #tpu.memory_space<smem>>, %arg2: memref<1x1024xf32, #tpu.memory_space<vmem>>, %arg3: memref<1x1024xf32, #tpu.memory_space<vmem>>, %arg4: memref<1x1xf32, #tpu.memory_space<smem>>, %arg5: memref<1x1xf32, #tpu.memory_space<smem>>) attributes {dimension_semantics = [], scalar_prefetch = 0 : i64, scratch_operands = 0 : i64, tpu.core_type = #tpu.core_type<tc>} {
    %get3A = arith.constant 0 : index
    %get3A_0 = arith.constant 0 : index
    %get3A_1 = memref.load %arg0[%get3A, %get3A_0] : memref<1x1xf32, #tpu.memory_space<smem>>
    %get3A_2 = arith.constant 0 : index
    %get3A_3 = arith.constant 0 : index
    %get3A_4 = memref.load %arg1[%get3A_2, %get3A_3] : memref<1x1xf32, #tpu.memory_space<smem>>
    %add3A = arith.addf %get3A_1, %get3A_4 : f32
    %mul3A = arith.constant 2.98023224E-8 : f32
    %mul3A_5 = arith.mulf %add3A, %mul3A : f32
    %swap3A = arith.constant 0 : index
    %swap3A_6 = arith.constant 0 : index
    %swap3A_7 = memref.load %arg4[%swap3A, %swap3A_6] : memref<1x1xf32, #tpu.memory_space<smem>>
    memref.store %mul3A_5, %arg4[%swap3A, %swap3A_6] : memref<1x1xf32, #tpu.memory_space<smem>>
    %get3A_8 = arith.constant 0 : index
    %get3A_9 = arith.constant 0 : index
    %get3A_10 = vector.load %arg2[%get3A_8, %get3A_9] : memref<1x1024xf32, #tpu.memory_space<vmem>>, vector<1x1024xf32>
    %get3A_11 = arith.constant 0 : index
    %get3A_12 = arith.constant 0 : index
    %get3A_13 = vector.load %arg3[%get3A_11, %get3A_12] : memref<1x1024xf32, #tpu.memory_space<vmem>>, vector<1x1024xf32>
    %add3A_14 = arith.addf %get3A_10, %get3A_13 : vector<1x1024xf32>
    %mul3A_15 = arith.constant 3.05175781E-5 : f32
    %mul3A_16 = vector.broadcast %mul3A_15 : f32 to vector<1x1024xf32>
    %mul3A_17 = arith.mulf %add3A_14, %mul3A_16 : vector<1x1024xf32>
    %add3A_18 = arith.constant 1.000000e-10 : f32
    %add3A_19 = vector.broadcast %add3A_18 : f32 to vector<1x1024xf32>
    %add3A_20 = arith.addf %mul3A_17, %add3A_19 : vector<1x1024xf32>
    %log3A = math.log %add3A_20 : vector<1x1024xf32>
    %mul3A_21 = arith.mulf %mul3A_17, %log3A : vector<1x1024xf32>
    %reduce_sum3A = vector.shape_cast %mul3A_21 : vector<1x1024xf32> to vector<1x1x1024xf32>
    %reduce_sum3A_22 = arith.constant dense<0.000000e+00> : vector<1xf32>
    %reduce_sum3A_23 = vector.multi_reduction <add>, %reduce_sum3A, %reduce_sum3A_22 [1, 2] : vector<1x1x1024xf32> to vector<1xf32>
    %reduce_sum3A_24 = vector.shape_cast %reduce_sum3A_23 : vector<1xf32> to vector<1x1x1xf32>
    %reduce_sum3A_25 = vector.extract %reduce_sum3A_24[0, 0, 0] : f32 from vector<1x1x1xf32>
    %neg3A = arith.constant 0.000000e+00 : f32
    %neg3A_26 = arith.subf %neg3A, %reduce_sum3A_25 : f32
    %exp3A = math.exp %neg3A_26 : f32
    %swap3A_27 = arith.constant 0 : index
    %swap3A_28 = arith.constant 0 : index
    %swap3A_29 = memref.load %arg5[%swap3A_27, %swap3A_28] : memref<1x1xf32, #tpu.memory_space<smem>>
    memref.store %exp3A, %arg5[%swap3A_27, %swap3A_28] : memref<1x1xf32, #tpu.memory_space<smem>>
    return
  }
}

module attributes {stable_mosaic.version = 14 : i64} {
  func.func @_tc_body(%arg0: i32, %arg1: memref<1024x256xf32, #tpu.memory_space<vmem>>, %arg2: memref<1024x256xf32, #tpu.memory_space<vmem>>, %arg3: memref<1024xi32, #tpu.memory_space<vmem>>, %arg4: memref<1x1xf32, #tpu.memory_space<smem>>, %arg5: memref<1x1024xf32, #tpu.memory_space<vmem>>) attributes {dimension_semantics = [#tpu.dimension_semantics<arbitrary>], iteration_bounds = array<i64: 16>, scalar_prefetch = 0 : i64, scratch_operands = 0 : i64, tpu.core_type = #tpu.core_type<tc>, window_params = [{transform_indices = @transform_0, window_bounds = array<i64: 1024, 256>}, {pipeline_mode = #tpu.pipeline_mode<synchronous>, transform_indices = @transform_1, window_bounds = array<i64: 1024, 256>}, {transform_indices = @transform_2, window_bounds = array<i64: 1024>}, {transform_indices = @transform_3, window_bounds = array<i64: 1, 1>}, {pipeline_mode = #tpu.pipeline_mode<synchronous>, transform_indices = @transform_4, window_bounds = array<i64: 1, 1024>}]} {
    %get3A = arith.constant 0 : index
    %get3A_0 = arith.constant 0 : index
    %get3A_1 = vector.load %arg1[%get3A, %get3A_0] : memref<1024x256xf32, #tpu.memory_space<vmem>>, vector<1024x256xf32>
    %get3A_2 = arith.constant 0 : index
    %get3A_3 = arith.constant 0 : index
    %get3A_4 = vector.load %arg2[%get3A_2, %get3A_3] : memref<1024x256xf32, #tpu.memory_space<vmem>>, vector<1024x256xf32>
    %broadcast_in_dim3A = arith.constant 1.000000e+00 : f32
    %broadcast_in_dim3A_5 = vector.broadcast %broadcast_in_dim3A : f32 to vector<1x256xf32>
    %mul3A = arith.mulf %get3A_4, %get3A_4 : vector<1024x256xf32>
    %dot_general3A = arith.constant dense<0.000000e+00> : vector<1x1024xf32>
    %dot_general3A_6 = tpu.matmul %broadcast_in_dim3A_5, %mul3A, %dot_general3A {dimension_numbers = #tpu.dot_dimension_numbers<[1], [1], [0], [0], [0, 0, 1, 0], [], []>, precision = #tpu.contract_precision<fp32>, transpose_lhs_hint = false} : vector<1x256xf32>, vector<1024x256xf32>, vector<1x1024xf32> -> vector<1x1024xf32>
    %dot_general3A_7 = arith.constant dense<0.000000e+00> : vector<1024x1024xf32>
    %dot_general3A_8 = tpu.matmul %get3A_1, %get3A_4, %dot_general3A_7 {dimension_numbers = #tpu.dot_dimension_numbers<[1], [1], [0], [0], [0, 0, 1, 0], [], []>, transpose_lhs_hint = false} : vector<1024x256xf32>, vector<1024x256xf32>, vector<1024x1024xf32> -> vector<1024x1024xf32>
    %mul3A_9 = arith.constant 2.000000e+00 : f32
    %mul3A_10 = vector.broadcast %mul3A_9 : f32 to vector<1024x1024xf32>
    %mul3A_11 = arith.mulf %mul3A_10, %dot_general3A_8 : vector<1024x1024xf32>
    %sub3A = vector.broadcast %dot_general3A_6 : vector<1x1024xf32> to vector<1024x1024xf32>
    %sub3A_12 = arith.subf %sub3A, %mul3A_11 : vector<1024x1024xf32>
    %reduce_min3A = arith.constant dense<0x7F800000> : vector<1024xf32>
    %reduce_min3A_13 = vector.multi_reduction <minimumf>, %sub3A_12, %reduce_min3A [1] : vector<1024x1024xf32> to vector<1024xf32>
    %argmin3A = tpu.reduce_index %sub3A_12 {axis = 1 : i32, kind = #tpu.reduction_kind<arg_min>} : vector<1024x1024xf32> -> vector<1024xi32>
    %swap3A = arith.constant 0 : index
    %swap3A_14 = vector.load %arg3[%swap3A] : memref<1024xi32, #tpu.memory_space<vmem>>, vector<1024xi32>
    tpu.vector_store %arg3[%swap3A], %argmin3A {strides = array<i32>} : memref<1024xi32, #tpu.memory_space<vmem>>, vector<1024xi32>,
    %mul3A_15 = arith.mulf %get3A_1, %get3A_1 : vector<1024x256xf32>
    %reduce_sum3A = arith.constant dense<0.000000e+00> : vector<1024xf32>
    %reduce_sum3A_16 = vector.multi_reduction <add>, %mul3A_15, %reduce_sum3A [1] : vector<1024x256xf32> to vector<1024xf32>
    %add3A = arith.addf %reduce_min3A_13, %reduce_sum3A_16 : vector<1024xf32>
    %reduce_sum3A_17 = vector.shape_cast %add3A : vector<1024xf32> to vector<1x1024xf32>
    %reduce_sum3A_18 = arith.constant dense<0.000000e+00> : vector<1xf32>
    %reduce_sum3A_19 = vector.multi_reduction <add>, %reduce_sum3A_17, %reduce_sum3A_18 [1] : vector<1x1024xf32> to vector<1xf32>
    %reduce_sum3A_20 = vector.shape_cast %reduce_sum3A_19 : vector<1xf32> to vector<1x1xf32>
    %reduce_sum3A_21 = vector.extract %reduce_sum3A_20[0, 0] : f32 from vector<1x1xf32>
    %eq3A = arith.constant 0 : i32
    %eq3A_22 = arith.cmpi eq, %arg0, %eq3A : i32
    %get3A_23 = arith.constant 0 : index
    %get3A_24 = arith.constant 0 : index
    %get3A_25 = memref.load %arg4[%get3A_23, %get3A_24] : memref<1x1xf32, #tpu.memory_space<smem>>
    %jit3A = arith.constant 0.000000e+00 : f32
    %select_n3A = arith.select %eq3A_22, %jit3A, %get3A_25 : f32
    %add3A_26 = arith.addf %select_n3A, %reduce_sum3A_21 : f32
    %swap3A_27 = arith.constant 0 : index
    %swap3A_28 = arith.constant 0 : index
    %swap3A_29 = memref.load %arg4[%swap3A_27, %swap3A_28] : memref<1x1xf32, #tpu.memory_space<smem>>
    memref.store %add3A_26, %arg4[%swap3A_27, %swap3A_28] : memref<1x1xf32, #tpu.memory_space<smem>>
    %broadcast_in_dim3A_30 = vector.shape_cast %reduce_min3A_13 : vector<1024xf32> to vector<1024x1xf32>
    %le3A = vector.broadcast %broadcast_in_dim3A_30 : vector<1024x1xf32> to vector<1024x1024xf32>
    %le3A_31 = arith.cmpf ole, %sub3A_12, %le3A : vector<1024x1024xf32>
    %convert_element_type3A = arith.extui %le3A_31 : vector<1024x1024xi1> to vector<1024x1024xi32>
    %convert_element_type3A_32 = arith.sitofp %convert_element_type3A : vector<1024x1024xi32> to vector<1024x1024xf32>
    %broadcast_in_dim3A_33 = arith.constant 1.000000e+00 : f32
    %broadcast_in_dim3A_34 = vector.broadcast %broadcast_in_dim3A_33 : f32 to vector<1x1024xf32>
    %dot_general3A_35 = arith.constant dense<0.000000e+00> : vector<1x1024xf32>
    %dot_general3A_36 = tpu.matmul %broadcast_in_dim3A_34, %convert_element_type3A_32, %dot_general3A_35 {dimension_numbers = #tpu.dot_dimension_numbers<[1], [0], [0], [1], [0, 0, 1, 1], [], []>, transpose_lhs_hint = false} : vector<1x1024xf32>, vector<1024x1024xf32>, vector<1x1024xf32> -> vector<1x1024xf32>
    %eq3A_37 = arith.constant 0 : i32
    %eq3A_38 = arith.cmpi eq, %arg0, %eq3A_37 : i32
    %broadcast_in_dim3A_39 = arith.constant 0.000000e+00 : f32
    %broadcast_in_dim3A_40 = vector.broadcast %broadcast_in_dim3A_39 : f32 to vector<1x1024xf32>
    %get3A_41 = arith.constant 0 : index
    %get3A_42 = arith.constant 0 : index
    %get3A_43 = vector.load %arg5[%get3A_41, %get3A_42] : memref<1x1024xf32, #tpu.memory_space<vmem>>, vector<1x1024xf32>
    %select_n3A_44 = arith.select %eq3A_38, %broadcast_in_dim3A_40, %get3A_43 : vector<1x1024xf32>
    %add3A_45 = arith.addf %select_n3A_44, %dot_general3A_36 : vector<1x1024xf32>
    %swap3A_46 = arith.constant 0 : index
    %swap3A_47 = arith.constant 0 : index
    %swap3A_48 = vector.load %arg5[%swap3A_46, %swap3A_47] : memref<1x1024xf32, #tpu.memory_space<vmem>>, vector<1x1024xf32>
    tpu.vector_store %arg5[%swap3A_46, %swap3A_47], %add3A_45 {strides = array<i32>} : memref<1x1024xf32, #tpu.memory_space<vmem>>, vector<1x1024xf32>,
    return
  }
  func.func @transform_0(%arg0: i32) -> (i32, i32) {
    %add3A = arith.constant 0 : i32
    %add3A_0 = arith.addi %arg0, %add3A : i32
    %c0_i32 = arith.constant 0 : i32
    %c0_i32_1 = arith.constant 0 : i32
    return %add3A_0, %c0_i32 : i32, i32
  }
  func.func @transform_1(%arg0: i32) -> (i32, i32) {
    %c0_i32 = arith.constant 0 : i32
    %c0_i32_0 = arith.constant 0 : i32
    %c0_i32_1 = arith.constant 0 : i32
    return %c0_i32, %c0_i32_0 : i32, i32
  }
  func.func @transform_2(%arg0: i32) -> i32 {
    %c0_i32 = arith.constant 0 : i32
    return %arg0 : i32
  }
  func.func @transform_3(%arg0: i32) -> (i32, i32) {
    %c0_i32 = arith.constant 0 : i32
    %c0_i32_0 = arith.constant 0 : i32
    %c0_i32_1 = arith.constant 0 : i32
    return %c0_i32, %c0_i32_0 : i32, i32
  }
  func.func @transform_4(%arg0: i32) -> (i32, i32) {
    %c0_i32 = arith.constant 0 : i32
    %c0_i32_0 = arith.constant 0 : i32
    %c0_i32_1 = arith.constant 0 : i32
    return %c0_i32, %c0_i32_0 : i32, i32
  }
}

module attributes {stable_mosaic.version = 14 : i64} {
  func.func @_tc_body(%arg0: i32, %arg1: memref<1024x256xf32, #tpu.memory_space<vmem>>, %arg2: memref<1024x256xf32, #tpu.memory_space<vmem>>, %arg3: memref<1024xi32, #tpu.memory_space<vmem>>, %arg4: memref<1x1xf32, #tpu.memory_space<smem>>, %arg5: memref<1x1024xf32, #tpu.memory_space<vmem>>) attributes {dimension_semantics = [#tpu.dimension_semantics<arbitrary>], iteration_bounds = array<i64: 16>, scalar_prefetch = 0 : i64, scratch_operands = 0 : i64, tpu.core_type = #tpu.core_type<tc>, window_params = [{transform_indices = @transform_0, window_bounds = array<i64: 1024, 256>}, {pipeline_mode = #tpu.pipeline_mode<synchronous>, transform_indices = @transform_1, window_bounds = array<i64: 1024, 256>}, {transform_indices = @transform_2, window_bounds = array<i64: 1024>}, {transform_indices = @transform_3, window_bounds = array<i64: 1, 1>}, {pipeline_mode = #tpu.pipeline_mode<synchronous>, transform_indices = @transform_4, window_bounds = array<i64: 1, 1024>}]} {
    %get3A = arith.constant 0 : index
    %get3A_0 = arith.constant 0 : index
    %get3A_1 = vector.load %arg1[%get3A, %get3A_0] : memref<1024x256xf32, #tpu.memory_space<vmem>>, vector<1024x256xf32>
    %get3A_2 = arith.constant 0 : index
    %get3A_3 = arith.constant 0 : index
    %get3A_4 = vector.load %arg2[%get3A_2, %get3A_3] : memref<1024x256xf32, #tpu.memory_space<vmem>>, vector<1024x256xf32>
    %broadcast_in_dim3A = arith.constant 1.000000e+00 : f32
    %broadcast_in_dim3A_5 = vector.broadcast %broadcast_in_dim3A : f32 to vector<1x256xf32>
    %mul3A = arith.mulf %get3A_4, %get3A_4 : vector<1024x256xf32>
    %dot_general3A = arith.constant dense<0.000000e+00> : vector<1x1024xf32>
    %dot_general3A_6 = tpu.matmul %broadcast_in_dim3A_5, %mul3A, %dot_general3A {dimension_numbers = #tpu.dot_dimension_numbers<[1], [1], [0], [0], [0, 0, 1, 0], [], []>, precision = #tpu.contract_precision<fp32>, transpose_lhs_hint = false} : vector<1x256xf32>, vector<1024x256xf32>, vector<1x1024xf32> -> vector<1x1024xf32>
    %dot_general3A_7 = arith.constant dense<0.000000e+00> : vector<1024x1024xf32>
    %dot_general3A_8 = tpu.matmul %get3A_1, %get3A_4, %dot_general3A_7 {dimension_numbers = #tpu.dot_dimension_numbers<[1], [1], [0], [0], [0, 0, 1, 0], [], []>, transpose_lhs_hint = false} : vector<1024x256xf32>, vector<1024x256xf32>, vector<1024x1024xf32> -> vector<1024x1024xf32>
    %mul3A_9 = arith.constant 2.000000e+00 : f32
    %mul3A_10 = vector.broadcast %mul3A_9 : f32 to vector<1024x1024xf32>
    %mul3A_11 = arith.mulf %mul3A_10, %dot_general3A_8 : vector<1024x1024xf32>
    %sub3A = vector.broadcast %dot_general3A_6 : vector<1x1024xf32> to vector<1024x1024xf32>
    %sub3A_12 = arith.subf %sub3A, %mul3A_11 : vector<1024x1024xf32>
    %reduce_min3A = arith.constant dense<0x7F800000> : vector<1024xf32>
    %reduce_min3A_13 = vector.multi_reduction <minimumf>, %sub3A_12, %reduce_min3A [1] : vector<1024x1024xf32> to vector<1024xf32>
    %argmin3A = tpu.reduce_index %sub3A_12 {axis = 1 : i32, kind = #tpu.reduction_kind<arg_min>} : vector<1024x1024xf32> -> vector<1024xi32>
    %swap3A = arith.constant 0 : index
    %swap3A_14 = vector.load %arg3[%swap3A] : memref<1024xi32, #tpu.memory_space<vmem>>, vector<1024xi32>
    tpu.vector_store %arg3[%swap3A], %argmin3A {strides = array<i32>} : memref<1024xi32, #tpu.memory_space<vmem>>, vector<1024xi32>,
    %mul3A_15 = arith.mulf %get3A_1, %get3A_1 : vector<1024x256xf32>
    %reduce_sum3A = arith.constant dense<0.000000e+00> : vector<1024xf32>
    %reduce_sum3A_16 = vector.multi_reduction <add>, %mul3A_15, %reduce_sum3A [1] : vector<1024x256xf32> to vector<1024xf32>
    %add3A = arith.addf %reduce_min3A_13, %reduce_sum3A_16 : vector<1024xf32>
    %reduce_sum3A_17 = vector.shape_cast %add3A : vector<1024xf32> to vector<1x1024xf32>
    %reduce_sum3A_18 = arith.constant dense<0.000000e+00> : vector<1xf32>
    %reduce_sum3A_19 = vector.multi_reduction <add>, %reduce_sum3A_17, %reduce_sum3A_18 [1] : vector<1x1024xf32> to vector<1xf32>
    %reduce_sum3A_20 = vector.shape_cast %reduce_sum3A_19 : vector<1xf32> to vector<1x1xf32>
    %reduce_sum3A_21 = vector.extract %reduce_sum3A_20[0, 0] : f32 from vector<1x1xf32>
    %eq3A = arith.constant 0 : i32
    %eq3A_22 = arith.cmpi eq, %arg0, %eq3A : i32
    %get3A_23 = arith.constant 0 : index
    %get3A_24 = arith.constant 0 : index
    %get3A_25 = memref.load %arg4[%get3A_23, %get3A_24] : memref<1x1xf32, #tpu.memory_space<smem>>
    %jit3A = arith.constant 0.000000e+00 : f32
    %select_n3A = arith.select %eq3A_22, %jit3A, %get3A_25 : f32
    %add3A_26 = arith.addf %select_n3A, %reduce_sum3A_21 : f32
    %swap3A_27 = arith.constant 0 : index
    %swap3A_28 = arith.constant 0 : index
    %swap3A_29 = memref.load %arg4[%swap3A_27, %swap3A_28] : memref<1x1xf32, #tpu.memory_space<smem>>
    memref.store %add3A_26, %arg4[%swap3A_27, %swap3A_28] : memref<1x1xf32, #tpu.memory_space<smem>>
    %broadcast_in_dim3A_30 = vector.shape_cast %reduce_min3A_13 : vector<1024xf32> to vector<1024x1xf32>
    %le3A = vector.broadcast %broadcast_in_dim3A_30 : vector<1024x1xf32> to vector<1024x1024xf32>
    %le3A_31 = arith.cmpf ole, %sub3A_12, %le3A : vector<1024x1024xf32>
    %convert_element_type3A = arith.extui %le3A_31 : vector<1024x1024xi1> to vector<1024x1024xi32>
    %convert_element_type3A_32 = arith.sitofp %convert_element_type3A : vector<1024x1024xi32> to vector<1024x1024xf32>
    %broadcast_in_dim3A_33 = arith.constant 1.000000e+00 : f32
    %broadcast_in_dim3A_34 = vector.broadcast %broadcast_in_dim3A_33 : f32 to vector<1x1024xf32>
    %dot_general3A_35 = arith.constant dense<0.000000e+00> : vector<1x1024xf32>
    %dot_general3A_36 = tpu.matmul %broadcast_in_dim3A_34, %convert_element_type3A_32, %dot_general3A_35 {dimension_numbers = #tpu.dot_dimension_numbers<[1], [0], [0], [1], [0, 0, 1, 1], [], []>, transpose_lhs_hint = false} : vector<1x1024xf32>, vector<1024x1024xf32>, vector<1x1024xf32> -> vector<1x1024xf32>
    %eq3A_37 = arith.constant 0 : i32
    %eq3A_38 = arith.cmpi eq, %arg0, %eq3A_37 : i32
    %broadcast_in_dim3A_39 = arith.constant 0.000000e+00 : f32
    %broadcast_in_dim3A_40 = vector.broadcast %broadcast_in_dim3A_39 : f32 to vector<1x1024xf32>
    %get3A_41 = arith.constant 0 : index
    %get3A_42 = arith.constant 0 : index
    %get3A_43 = vector.load %arg5[%get3A_41, %get3A_42] : memref<1x1024xf32, #tpu.memory_space<vmem>>, vector<1x1024xf32>
    %select_n3A_44 = arith.select %eq3A_38, %broadcast_in_dim3A_40, %get3A_43 : vector<1x1024xf32>
    %add3A_45 = arith.addf %select_n3A_44, %dot_general3A_36 : vector<1x1024xf32>
    %swap3A_46 = arith.constant 0 : index
    %swap3A_47 = arith.constant 0 : index
    %swap3A_48 = vector.load %arg5[%swap3A_46, %swap3A_47] : memref<1x1024xf32, #tpu.memory_space<vmem>>, vector<1x1024xf32>
    tpu.vector_store %arg5[%swap3A_46, %swap3A_47], %add3A_45 {strides = array<i32>} : memref<1x1024xf32, #tpu.memory_space<vmem>>, vector<1x1024xf32>,
    return
  }
  func.func @transform_0(%arg0: i32) -> (i32, i32) {
    %add3A = arith.constant 16 : i32
    %add3A_0 = arith.addi %arg0, %add3A : i32
    %c0_i32 = arith.constant 0 : i32
    %c0_i32_1 = arith.constant 0 : i32
    return %add3A_0, %c0_i32 : i32, i32
  }
  func.func @transform_1(%arg0: i32) -> (i32, i32) {
    %c0_i32 = arith.constant 0 : i32
    %c0_i32_0 = arith.constant 0 : i32
    %c0_i32_1 = arith.constant 0 : i32
    return %c0_i32, %c0_i32_0 : i32, i32
  }
  func.func @transform_2(%arg0: i32) -> i32 {
    %c0_i32 = arith.constant 0 : i32
    return %arg0 : i32
  }
  func.func @transform_3(%arg0: i32) -> (i32, i32) {
    %c0_i32 = arith.constant 0 : i32
    %c0_i32_0 = arith.constant 0 : i32
    %c0_i32_1 = arith.constant 0 : i32
    return %c0_i32, %c0_i32_0 : i32, i32
  }
  func.func @transform_4(%arg0: i32) -> (i32, i32) {
    %c0_i32 = arith.constant 0 : i32
    %c0_i32_0 = arith.constant 0 : i32
    %c0_i32_1 = arith.constant 0 : i32
    return %c0_i32, %c0_i32_0 : i32, i32
  }
}

</mosaic_0001>

<sc_bundles>
// kernel: kernel.10.cloned.1.call-start
scs
__scs_entry_jumppad:
0x0: {  	(pc) =	sbr.rel $0x88, $3  }
0x1: {  	(tag) =	ssettag $0x0;
	lr =	simm.s32 $0x1  }
0x2: {  	[smem:$0x3F9F] =	sst lr;
	_ =	strace $0xD0000000  }
0x3: {  	_ = 	snop  }
0x4: {  	_ = 	snop  }
0x5: {  	_ = 	snop  }
0x6: {  	_ = 	snop  }
0x7: {  	_ = 	snop  }
__scs_overlays_trampoline_lowered:
0x8: {  	[smem:$0x3FAE] =	sst s0  }
0x9: {  	[smem:$0x3FAF] =	sst s1  }
0xa: {  	[smem:$0x3FB0] =	sst s2  }
0xb: {  	[smem:$0x3FB1] =	sst s3  }
0xc: {  	[smem:$0x3FB2] =	sst s4  }
0xd: {  	[smem:$0x3FB3] =	sst s5  }
0xe: {  	[smem:$0x3FB4] =	sst s6  }
0xf: {  	[smem:$0x3FB5] =	sst s7  }
0x10: {  	[smem:$0x3FB6] =	sst s8  }
0x11: {  	[smem:$0x3FB7] =	sst s9;
	s0 =	simm.s32 @!p0 $0x0  }
0x12: {  	s1 =	sld [smem:$0x3F9D];
	s0 =	simm.s32 @p0 $0x1  }
0x13: {  	[smem:$0x3FB8] =	sst s0;
	s0 =	simm.s32 @!p1 $0x0  }
0x14: {  	s2 =	sld [smem:$0x3F9C];
	s0 =	simm.s32 @p1 $0x1  }
0x15: {  	[smem:$0x3FB9] =	sst s0;
	s0 =	simm.s32 @!p2 $0x0  }
0x16: {  	s3 =	sld [smem:$0x3FDB];
	s0 =	simm.s32 @p2 $0x1  }
0x17: {  	s4 =	simm.s32 $0x1BF5;
	[smem:$0x3FBB] =	sst s0  }
0x18: {  	s0 =	sld [smem:$0x3F9E];
	_ =	swait.ge [sflag:s4], $0x0  }
0x19: {  	s7 =	sld [smem:$0x3F9F]  }
0x1a: {  	s8 =	sadd.s32 $0xFFFFE003, lr  }
0x1b: {  	s9 =	sadd.s32 $0xFFFFFEF7, lr;
	s5 =	simm.s32 $0xFFFFFFFF;
	p2 =	slt.u32 s8, $0xFFFFF086  }
0x1c: {  	p1 =	slt.u32 s9, $0xF7A;
	s5 =	simm.s32 @!p2 $0x0  }
0x1d: {  	s5 =	simm.s32 @p1 $0x1;
	p0 =	seq.s32 s7, s2  }
0x1e: {  	s7 =	smul.u32 @!p0 $0xF7A, s2;
	p2 =	seq.s32 @!p0 s5, $0x0  }
0x1f: {  	s9 =	smul.u32 $0xF7A, s1;
	s8 =	simm.s32 @!p0 $0x1BF5;
	p2 =	por !p2, p0  }
0x20: {  	[sflag:s8] =	ssyncset.s32 @!p0 $0xFFFFF086;
	s6 =	sadd.s32 @!p0 s3, s7;
	s7 =	simm.s32 @!p0 $0x108  }
0x21: {  	s3 =	sadd.s32 s3, s9;
	s6 =	sadd.s32 @!p0 $0x88, s6;
	s7 =	simm.s32 @p2 $0x1082  }
0x22: {  	[simem:s7], [sflag:s8] =	dma.local @!p0 [hbm:s6], $0xF7A  }
0x23: {  	s9 =	sor.u32 $0xD0000000, s2;
	s6 =	simm.s32 $0x108;
	_ =	swait.ge @!p0 [sflag:s8], $0x0  }
0x24: {  	s3 =	sadd.s32 $0x88, s3;
	s6 =	simm.s32 @!p1 $0x1082;
	[sflag:s4] =	ssyncset.s32 $0xFFFFF086  }
0x25: {  	[simem:s6], [sflag:s4] =	dma.local [hbm:s3], $0xF7A  }
0x26: {  	[smem:$0x3F9F] =	sst s1;
	(tag) =	ssettag s2;
	_ =	strace s9  }
0x27: {  	s1 =	sld [smem:$0x3FAF]  }
0x28: {  	s2 =	sld [smem:$0x3FB0]  }
0x29: {  	s4 =	sld [smem:$0x3FB2]  }
0x2a: {  	p0 =	seq.s32 s5, $0x0;
	s5 =	sld [smem:$0x3FB3]  }
0x2b: {  	s6 =	sld [smem:$0x3FB4]  }
0x2c: {  	s7 =	sld [smem:$0x3FB5]  }
0x2d: {  	s3 =	simm.s32 $0x108;
	s8 =	sld [smem:$0x3FB6]  }
0x2e: {  	s3 =	simm.s32 @!p0 $0x1082;
	s9 =	sld [smem:$0x3FB7]  }
0x2f: {  	lr =	sadd.s32 s0, s3;
	s0 =	sld [smem:$0x3FAE]  }
0x30: {  	s3 =	sld [smem:$0x3FB1]  }
0x31: {  	[smem:$0x3FBA] =	sst s10  }
0x32: {  	s10 =	sld [smem:$0x3FB8];
	_ =	sdelay $0x3  }
0x33: {  	p0 =	seq.s32 s10, $0x1;
	s10 =	sld [smem:$0x3FBA];
	_ =	sdelay $0x3  }
0x34: {  	[smem:$0x3FBA] =	sst s10  }
0x35: {  	s10 =	sld [smem:$0x3FB9];
	_ =	sdelay $0x3  }
0x36: {  	p1 =	seq.s32 s10, $0x1;
	s10 =	sld [smem:$0x3FBA];
	_ =	sdelay $0x3  }
0x37: {  	[smem:$0x3FBA] =	sst s10  }
0x38: {  	s10 =	sld [smem:$0x3FBB]  }
0x39: {  	_ = 	snop;
	(pc) =	sbr.ind lr, $3  }
0x3a: {  	_ = 	snop  }
0x3b: {  	_ = 	snop  }
0x3c: {  	p2 =	seq.s32 s10, $0x1;
	s10 =	sld [smem:$0x3FBA]  }
0x3d: {  	_ =	shalt  }
0x3e: {  	_ =	shalt  }
0x3f: {  	_ =	shalt  }
0x40: {  	_ =	shalt  }
0x41: {  	_ =	shalt  }
0x42: {  	_ =	shalt  }
0x43: {  	_ =	shalt  }
0x44: {  	_ =	shalt  }
0x45: {  	_ =	shalt  }
0x46: {  	_ =	shalt  }
0x47: {  	_ =	shalt  }
0x48: {  	_ =	shalt  }
0x49: {  	_ =	shalt  }
0x4a: {  	_ =	shalt  }
0x4b: {  	_ =	shalt  }
0x4c: {  	_ =	shalt  }
0x4d: {  	_ =	shalt  }
0x4e: {  	_ =	shalt  }
0x4f: {  	_ =	shalt  }
0x50: {  	_ =	shalt  }
0x51: {  	_ =	shalt  }
0x52: {  	_ =	shalt  }
0x53: {  	_ =	shalt  }
0x54: {  	_ =	shalt  }
0x55: {  	_ =	shalt  }
0x56: {  	_ =	shalt  }
0x57: {  	_ =	shalt  }
0x58: {  	_ =	shalt  }
0x59: {  	_ =	shalt  }
0x5a: {  	_ =	shalt  }
0x5b: {  	_ =	shalt  }
0x5c: {  	_ =	shalt  }
0x5d: {  	_ =	shalt  }
0x5e: {  	_ =	shalt  }
0x5f: {  	_ =	shalt  }
0x60: {  	_ =	shalt  }
0x61: {  	_ =	shalt  }
0x62: {  	_ =	shalt  }
0x63: {  	_ =	shalt  }
0x64: {  	_ =	shalt  }
0x65: {  	_ =	shalt  }
0x66: {  	_ =	shalt  }
0x67: {  	_ =	shalt  }
0x68: {  	_ =	shalt  }
0x69: {  	_ =	shalt  }
0x6a: {  	_ =	shalt  }
0x6b: {  	_ =	shalt  }
0x6c: {  	_ =	shalt  }
0x6d: {  	_ =	shalt  }
0x6e: {  	_ =	shalt  }
0x6f: {  	_ =	shalt  }
0x70: {  	_ =	shalt  }
0x71: {  	_ =	shalt  }
0x72: {  	_ =	shalt  }
0x73: {  	_ =	shalt  }
0x74: {  	_ =	shalt  }
0x75: {  	_ =	shalt  }
0x76: {  	_ =	shalt  }
0x77: {  	_ =	shalt  }
0x78: {  	_ =	shalt  }
0x79: {  	_ =	shalt  }
0x7a: {  	_ =	shalt  }
0x7b: {  	_ =	shalt  }
0x7c: {  	_ =	shalt  }
0x7d: {  	_ =	shalt  }
0x7e: {  	_ =	shalt  }
0x7f: {  	_ =	shalt  }
0x80: {  	_ =	shalt  }
0x81: {  	_ =	shalt  }
0x82: {  	_ =	shalt  }
0x83: {  	_ =	shalt  }
0x84: {  	_ =	shalt  }
0x85: {  	_ =	shalt  }
0x86: {  	_ =	shalt  }
0x87: {  	_ =	shalt  }
.Lfunc_end0:
.L_simem_size_0:
called_computation.1_lowered:
.L_overlay_start_0:
0x88: {  	s2 =	sld [smem:$0x3FD9]  }
0x89: {  	s3 =	sld [smem:$0x3FFE];
	_ =	sdelay $0x1  }
0x8a: {  	s1 =	srdreg.scid  }
0x8b: {  	s0 =	sand.u32 $0x1, s1  }
0x8c: {  	s17 =	sshll.u32 s0, $0xA;
	s2 =	sadd.s32 s3, s2  }
0x8d: {  	s2 =	sadd.s32 s2, s17  }
0x8e: {  	[smem:$0x3FC6] =	sst s2  }
0x8f: {  	_ = 	snop  }
0x90: {  	s18 =	sld [smem:$0x3FC8];
	(tm) =	ssettm $0x1  }
0x91: {  	s19 =	sld [smem:$0x3FFB];
	_ =	sdelay $0x3  }
0x92: {  	_ =	strace s19  }
0x93: {  	s2 =	sld [smem:$0x3FFC];
	_ =	sdelay $0x3  }
0x94: {  	_ =	strace s2  }
0x95: {  	s2 =	sld [smem:$0x3FFD];
	_ =	sdelay $0x3  }
0x96: {  	_ =	strace s2  }
0x97: {  	_ =	strace $0x8FFFFFFF  }
0x98: {  	s20 =	sld [smem:$0x3FDB];
	_ =	sdelay $0x1  }
0x99: {  	s4 =	simm.s32 $_scs_section_size  }
0x9a: {  	s5 =	simm.s32 $_size__tile_overlayer_lowered;
	s6 =	simm.s32 $_tile_overlayer_lowered  }
0x9b: {  	s7 =	simm.s32 $0x1BFF;
	s21 =	sshll.u32 s6, $0x1;
	s4 =	sadd.s32 s4, s20  }
0x9c: {  	s22 =	simm.s32 $0x0;
	s5 =	sshll.u32 s5, $0x1;
	s6 =	sadd.s32 s21, s4  }
0x9d: {  	[timem:s22], [sflag:s7] =	dma.local [hbm:s6], s5  }
0x9e: {  	_ =	swait.ge [sflag:s7], s5  }
0x9f: {  	s5 =	ssub.s32 $0x0, s5;
	[sflag:s7] =	ssyncset.done $0x0  }
0xa0: {  	[sflag:s7] =	ssyncadd.s32 s5;
	_ =	sdelay $0x1  }
0xa1: {  	s23 =	simm.s32 $0x1B8B  }
0xa2: {  	_ =	swait.ge [sflag:s23], $0x1  }
0xa3: {  	[sflag:s23] =	ssyncset.done $0x0  }
0xa4: {  	[sflag:s23] =	ssyncadd.s32 $0xFFFFFFFF  }
0xa5: {  	s5 =	sld [smem:$0x0]  }
0xa6: {  	s6 =	sand.u32 $0xFFFFFFFE, s1  }
0xa7: {  	p0 =	sne.s32 s1, s6  }
0xa8: {  	s6 =	sshll.u32 @p0 s6, $0xE  }
0xa9: {  	s6 =	sadd.s32 @p0 $0x11B8D, s6;
	s7 =	sshll.u32 @p0 s5, $0x11  }
0xaa: {  	s6 =	sor.u32 @p0 s7, s6  }
0xab: {  	[sflag:s6] =	ssyncadd.remote.s32 @p0 $0x1;
	_ =	sdelay $0x1  }
0xac: {  	s6 =	simm.s32 @p0 $0x1B8D  }
0xad: {  	_ =	swait.eq @p0 [sflag:s6], $0x1  }
0xae: {  	[sflag:s6] =	ssyncadd.s32 @p0 $0xFFFFFFFF  }
0xaf: {  	s7 =	sshll.u32 @!p0 s1, $0xE  }
0xb0: {  	s7 =	sor.u32 @!p0 $0x4000, s7;
	s6 =	simm.s32 @!p0 $0x1B8D  }
0xb1: {  	s5 =	sshll.u32 @!p0 s5, $0x11;
	s7 =	sadd.s32 @!p0 $0x11B8D, s7;
	_ =	swait.eq @!p0 [sflag:s6], $0x1  }
0xb2: {  	s5 =	sor.u32 @!p0 s5, s7;
	[sflag:s6] =	ssyncadd.s32 @!p0 $0xFFFFFFFF  }
0xb3: {  	s25 =	simm.s32 $0x1B8E;
	s24 =	sld [smem:$0x3FFE];
	[sflag:s5] =	ssyncadd.remote.s32 @!p0 $0x1  }
0xb4: {  	s26 =	simm.s32 $execute0_lowered;
	[smem:$0x3FD2] =	sst s25  }
0xb5: {  	s6 =	sshll.u32 s26, $0x1;
	_ =	strace $0x80000049;
	[dreg:$0x1] =	wrdreg $0xFFFFFFFF  }
0xb6: {  	s28 =	simm.s32 $_size_execute0_lowered;
	s4 =	sadd.s32 s4, s6;
	[dreg:$0x0] =	wrdreg $0x0  }
0xb7: {  	s6 =	sshll.u32 s28, $0x1;
	[dreg:$0x2] =	wrdreg s4  }
0xb8: {  	[dreg:$0x3] =	wrdreg s6  }
0xb9: {  	[dreg:$0x4] =	wrdreg $0xC0  }
0xba: {  	_ =	task [dreg:s22], $0x5FFFF  }
0xbb: {  	[dreg:$0x1] =	wrdreg $0xFFFFFFFF  }
0xbc: {  	[dreg:$0x0] =	wrdreg $0x60  }
0xbd: {  	[dreg:$0x2] =	wrdreg s18  }
0xbe: {  	[dreg:$0x3] =	wrdreg s24  }
0xbf: {  	[dreg:$0x4] =	wrdreg $0xA  }
0xc0: {  	_ =	task.clear_ibuf [dreg:s22], $0x5FFFF;
	_ =	strace $0x90000049  }
0xc1: {  	s29 =	simm.s32 $0xA;
	_ =	strace $0x8000004B  }
0xc2: {  	_ =	swait.ge [sflag:s29], $0x1  }
0xc3: {  	[sflag:s29] =	ssyncadd.s32 $0xFFFFFFFF  }
0xc4: {  	_ =	strace $0x9000004B  }
0xc5: {  	_ =	sfence  }
0xc6: {  	s30 =	sld [smem:$0x0];
	_ =	sdelay $0x2  }
0xc7: {  	s31 =	sshll.u32 s1, $0xD;
	s1 =	sshrl.u32 s1, $0x2  }
0xc8: {  	s4 =	sand.u32 $0x4000, s31;
	s1 =	sadd.s32 s1, s30  }
0xc9: {  	s0 =	sor.u32 s4, s0;
	s1 =	sshll.u32 s1, $0x11  }
0xca: {  	s0 =	sor.u32 s1, s0  }
0xcb: {  	s0 =	sadd.s32 $0x8F2B, s0  }
0xcc: {  	[sflag:s0] =	ssyncadd.remote.s32 $0x1  }
0xcd: {  	_ =	sfence.sel $0xFFFF  }
0xce: {  	[dreg:$0x0] =	wrdreg $0xFFFFFFFF;
	(pc) =	sbr.abs _section_cstart, $3  }
0xcf: {  	[dreg:$0x1] =	wrdreg $0xFFFFFFFF  }
0xd0: {  	_ =	task.clear_ibuf [dreg:s22], $0x2FFFF;
	_ =	strace $0x9FFFFFFF  }
0xd1: {  	(tm) =	ssettm $0x7FFFFFFF  }
tec
execute0_lowered:
.L_overlay_start_1:
0x0: {  	(tag) =	ssettag $0x1  }
0x1: {  	s1 =	rddreg [dreg:$0x0]  }
0x2: {  	s0 =	rddreg [dreg:$0x1]  }
0x3: {  	s2 =	srdreg.scid;
	s3 =	simm.s32 $0x0;
	s4 =	stileid.u32  }
0x4: {  	s14 =	simm.s32 $0x3;
	s15 =	simm.s32 $0x2;
	s28 =	simm.s32 $0x4900  }
0x5: {  	s29 =	simm.s32 $0x5100;
	s30 =	simm.s32 $0x5900;
	s31 =	simm.s32 $0x6100  }
0x6: {  	s9 =	simm.s32 $0x8900;
	s10 =	simm.s32 $0x9100;
	s11 =	simm.s32 $0x9900  }
0x7: {  	s12 =	simm.s32 $0xA100;
	s2 =	sand.u32 $0x1, s2;
	[smem:$0x7FF] =	sst s3  }
0x8: {  	s4 =	sshll.u32 s4, $0xA;
	s16 =	sadd.s32 $0x81C00, s0;
	s5 =	sshll.u32 s2, $0x9  }
0x9: {  	s0 =	sadd.s32 $0x82400, s0;
	s2 =	ssub.s32 $0x2, s2;
	s4 =	sor.u32 s5, s4  }
0xa: {  	_ =	strace $0x8000004A;
	s26 =	sshrl.u32 s2, $0x1;
	s6 =	sshrl.u32 s4, $0x3  }
0xb: {  	s7 =	sor.u32 $0x80, s4;
	s18 =	sshll.u32 s4, $0x5;
	s20 =	sor.u32 $0x100, s4  }
0xc: {  	s4 =	sor.u32 $0x180, s4;
	s2 =	ssub.s32 s2, s26;
	s26 =	simm.s32 $0x4100  }
0xd: {  	s6 =	sadd.s32 s16, s6;
	s8 =	sshrl.u32 s7, $0x3;
	s19 =	sadd.s32 s0, s18  }
0xe: {  	s21 =	sshrl.u32 s20, $0x3;
	s7 =	sshll.u32 s7, $0x5;
	s23 =	sshrl.u32 s4, $0x3  }
0xf: {  	s24 =	sshll.u32 s20, $0x5;
	s4 =	sshll.u32 s4, $0x5;
	s18 =	simm.s32 $0x900  }
0x10: {  	s20 =	simm.s32 $0x1900;
	[dreg:$0x3] =	wrdreg s6;
	s17 =	sadd.s32 s16, s8  }
0x11: {  	[dreg:$0x5] =	wrdreg s19;
	s6 =	sadd.s32 s16, s21;
	s22 =	sadd.s32 s0, s7  }
0x12: {  	s5 =	sadd.s32 s16, s23;
	s25 =	sadd.s32 s0, s24;
	[dreg:$0x4] =	wrdreg s17  }
0x13: {  	s0 =	sadd.s32 s0, s4;
	s4 =	smax.u32 s2, $0x1;
	[dreg:$0x6] =	wrdreg s6  }
0x14: {  	s8 =	simm.s32 $0x1;
	s16 =	simm.s32 $0x4;
	[dreg:$0x7] =	wrdreg s22  }
0x15: {  	s19 =	simm.s32 $0x1100;
	s21 =	simm.s32 $0x2100;
	[dreg:$0x8] =	wrdreg s5  }
0x16: {  	v2 =	vlaneseq.u32;
	s24 =	simm.s32 $0x3100;
	s7 =	simm.s32 $0x7900;
	[dreg:$0x9] =	wrdreg s25  }
0x17: {  	vm0 =	vmmov $0xffff;
	v1 =	vshrl.u32 v2, $0x3;
	s23 =	simm.s32 $0xA900;
	[dreg:$0xa] =	wrdreg s0;
	s5 =	simm.s32 $0x5  }
0x18: {  	v0 =	vand.u32 $0x7, v2;
	v2 =	vor.u32 $0x8, v2;
	v1 =	vmul.u32 $0x8, v1;
	s22 =	simm.s32 $0x2900;
	s25 =	simm.s32 $0x3900;
	s6 =	simm.s32 $0x6900  }
.LBB2_1:
0x19: {  	s17 =	rddreg [dreg:$0x3]  }
0x1a: {  	[tilespmem:s3], [sflag:$0x5] =	stream.linear.gather [hbm4b:s17+s3], $0x80, $0x38;
	[tilespmem:$0x10100] =	vst v63  }
0x1b: {  	_ =	swait.ge [sflag:s5], $0x80  }
0x1c: {  	[sflag:s5] =	ssyncset.done $0x0  }
0x1d: {  	[sflag:s5] =	ssyncadd.s32 $0xFFFFFF80  }
0x1e: {  	v3 =	vld [tilespmem:$0x0];
	_ =	sdelay $0x4  }
0x1f: {  	v4 =	vshll.u32 v3, $0x1  }
0x20: {  	v3 =	vand.u32 $0x7, v3;
	v4 =	vand.u32 $0xFFFFFFF0, v4  }
0x21: {  	v3 =	vor.u32 v3, v4  }
0x22: {  	v4 =	vperm.xlane v3, v0;
	_ =	sdelay $0x1  }
0x23: {  	v3 =	vperm.xlane v3, v2;
	v4 =	vadd.s32 v1, v4;
	_ =	sdelay $0x1  }
0x24: {  	v3 =	vadd.s32 v1, v3;
	_ =	sdelay $0x1  }
0x25: {  	s0 =	simm.s32 $0x100  }
0x26: {  	[tilespmem:s0], [sflag:$0x1] =	stream.indirect_vreg.gather [hbm4b:s1+s3], $0x80, v4, vm0, $0xb8;
	[tilespmem:$0x10100] =	vst v63  }
0x27: {  	_ = 	snop  }
0x28: {  	[tilespmem:s18], [sflag:$0x1] =	stream.indirect_vreg.gather [hbm4b:s1+s3], $0x80, v3, vm0, $0xb8;
	[tilespmem:$0x10100] =	vst v63  }
0x29: {  	v3 =	vld [tilespmem:$0x10];
	_ =	sdelay $0x4  }
0x2a: {  	v33 =	vshll.u32 v3, $0x1  }
0x2b: {  	v3 =	vand.u32 $0x7, v3;
	v4 =	vand.u32 $0xFFFFFFF0, v33  }
0x2c: {  	v3 =	vor.u32 v3, v4  }
0x2d: {  	v4 =	vperm.xlane v3, v0;
	_ =	sdelay $0x1  }
0x2e: {  	v3 =	vperm.xlane v3, v2;
	v4 =	vadd.s32 v1, v4;
	_ =	sdelay $0x1  }
0x2f: {  	v3 =	vadd.s32 v1, v3;
	_ =	sdelay $0x2  }
0x30: {  	[tilespmem:s19], [sflag:$0x1] =	stream.indirect_vreg.gather [hbm4b:s1+s3], $0x80, v4, vm0, $0xb8;
	[tilespmem:$0x10100] =	vst v63  }
0x31: {  	_ = 	snop  }
0x32: {  	[tilespmem:s20], [sflag:$0x1] =	stream.indirect_vreg.gather [hbm4b:s1+s3], $0x80, v3, vm0, $0xb8;
	[tilespmem:$0x10100] =	vst v63  }
0x33: {  	v3 =	vld [tilespmem:$0x20];
	_ =	sdelay $0x4  }
0x34: {  	v34 =	vshll.u32 v3, $0x1  }
0x35: {  	v3 =	vand.u32 $0x7, v3;
	v4 =	vand.u32 $0xFFFFFFF0, v34  }
0x36: {  	v3 =	vor.u32 v3, v4  }
0x37: {  	v4 =	vperm.xlane v3, v0;
	_ =	sdelay $0x1  }
0x38: {  	v3 =	vperm.xlane v3, v2;
	v4 =	vadd.s32 v1, v4;
	_ =	sdelay $0x1  }
0x39: {  	v3 =	vadd.s32 v1, v3;
	_ =	sdelay $0x2  }
0x3a: {  	[tilespmem:s21], [sflag:$0x1] =	stream.indirect_vreg.gather [hbm4b:s1+s3], $0x80, v4, vm0, $0xb8;
	[tilespmem:$0x10100] =	vst v63  }
0x3b: {  	_ = 	snop  }
0x3c: {  	[tilespmem:s22], [sflag:$0x1] =	stream.indirect_vreg.gather [hbm4b:s1+s3], $0x80, v3, vm0, $0xb8;
	[tilespmem:$0x10100] =	vst v63  }
0x3d: {  	v3 =	vld [tilespmem:$0x30];
	_ =	sdelay $0x4  }
0x3e: {  	v35 =	vshll.u32 v3, $0x1  }
0x3f: {  	v3 =	vand.u32 $0x7, v3;
	v4 =	vand.u32 $0xFFFFFFF0, v35  }
0x40: {  	v3 =	vor.u32 v3, v4  }
0x41: {  	v4 =	vperm.xlane v3, v0;
	_ =	sdelay $0x1  }
0x42: {  	v3 =	vperm.xlane v3, v2;
	v4 =	vadd.s32 v1, v4;
	_ =	sdelay $0x1  }
0x43: {  	v3 =	vadd.s32 v1, v3;
	_ =	sdelay $0x2  }
0x44: {  	[tilespmem:s24], [sflag:$0x1] =	stream.indirect_vreg.gather [hbm4b:s1+s3], $0x80, v4, vm0, $0xb8;
	[tilespmem:$0x10100] =	vst v63  }
0x45: {  	_ = 	snop  }
0x46: {  	[tilespmem:s25], [sflag:$0x1] =	stream.indirect_vreg.gather [hbm4b:s1+s3], $0x80, v3, vm0, $0xb8;
	[tilespmem:$0x10100] =	vst v63  }
0x47: {  	v3 =	vld [tilespmem:$0x40];
	_ =	sdelay $0x4  }
0x48: {  	v36 =	vshll.u32 v3, $0x1  }
0x49: {  	v3 =	vand.u32 $0x7, v3;
	v4 =	vand.u32 $0xFFFFFFF0, v36  }
0x4a: {  	v3 =	vor.u32 v3, v4  }
0x4b: {  	v4 =	vperm.xlane v3, v0;
	_ =	sdelay $0x1  }
0x4c: {  	v3 =	vperm.xlane v3, v2;
	v4 =	vadd.s32 v1, v4;
	_ =	sdelay $0x1  }
0x4d: {  	v3 =	vadd.s32 v1, v3;
	_ =	sdelay $0x2  }
0x4e: {  	[tilespmem:s26], [sflag:$0x1] =	stream.indirect_vreg.gather [hbm4b:s1+s3], $0x80, v4, vm0, $0xb8;
	[tilespmem:$0x10100] =	vst v63  }
0x4f: {  	_ = 	snop  }
0x50: {  	[tilespmem:s28], [sflag:$0x1] =	stream.indirect_vreg.gather [hbm4b:s1+s3], $0x80, v3, vm0, $0xb8;
	[tilespmem:$0x10100] =	vst v63  }
0x51: {  	v3 =	vld [tilespmem:$0x50];
	_ =	sdelay $0x4  }
0x52: {  	v37 =	vshll.u32 v3, $0x1  }
0x53: {  	v3 =	vand.u32 $0x7, v3;
	v4 =	vand.u32 $0xFFFFFFF0, v37  }
0x54: {  	v3 =	vor.u32 v3, v4  }
0x55: {  	v4 =	vperm.xlane v3, v0;
	_ =	sdelay $0x1  }
0x56: {  	v3 =	vperm.xlane v3, v2;
	v4 =	vadd.s32 v1, v4;
	_ =	sdelay $0x1  }
0x57: {  	v3 =	vadd.s32 v1, v3;
	_ =	sdelay $0x2  }
0x58: {  	[tilespmem:s29], [sflag:$0x1] =	stream.indirect_vreg.gather [hbm4b:s1+s3], $0x80, v4, vm0, $0xb8;
	[tilespmem:$0x10100] =	vst v63  }
0x59: {  	_ = 	snop  }
0x5a: {  	[tilespmem:s30], [sflag:$0x1] =	stream.indirect_vreg.gather [hbm4b:s1+s3], $0x80, v3, vm0, $0xb8;
	[tilespmem:$0x10100] =	vst v63  }
0x5b: {  	v3 =	vld [tilespmem:$0x60];
	_ =	sdelay $0x4  }
0x5c: {  	v38 =	vshll.u32 v3, $0x1  }
0x5d: {  	v3 =	vand.u32 $0x7, v3;
	v4 =	vand.u32 $0xFFFFFFF0, v38  }
0x5e: {  	v3 =	vor.u32 v3, v4  }
0x5f: {  	v4 =	vperm.xlane v3, v0;
	_ =	sdelay $0x1  }
0x60: {  	v3 =	vperm.xlane v3, v2;
	v4 =	vadd.s32 v1, v4;
	_ =	sdelay $0x1  }
0x61: {  	v3 =	vadd.s32 v1, v3;
	_ =	sdelay $0x2  }
0x62: {  	[tilespmem:s31], [sflag:$0x1] =	stream.indirect_vreg.gather [hbm4b:s1+s3], $0x80, v4, vm0, $0xb8;
	[tilespmem:$0x10100] =	vst v63  }
0x63: {  	_ = 	snop  }
0x64: {  	[tilespmem:s6], [sflag:$0x1] =	stream.indirect_vreg.gather [hbm4b:s1+s3], $0x80, v3, vm0, $0xb8;
	[tilespmem:$0x10100] =	vst v63  }
0x65: {  	v3 =	vld [tilespmem:$0x70];
	_ =	sdelay $0x4  }
0x66: {  	v39 =	vshll.u32 v3, $0x1  }
0x67: {  	v3 =	vand.u32 $0x7, v3;
	v4 =	vand.u32 $0xFFFFFFF0, v39  }
0x68: {  	v3 =	vor.u32 v3, v4  }
0x69: {  	v4 =	vperm.xlane v3, v0;
	_ =	sdelay $0x1  }
0x6a: {  	v3 =	vperm.xlane v3, v2;
	v4 =	vadd.s32 v1, v4;
	_ =	sdelay $0x1  }
0x6b: {  	v3 =	vadd.s32 v1, v3;
	_ =	sdelay $0x1  }
0x6c: {  	s2 =	simm.s32 $0x7100  }
0x6d: {  	[tilespmem:s2], [sflag:$0x1] =	stream.indirect_vreg.gather [hbm4b:s1+s3], $0x80, v4, vm0, $0xb8;
	[tilespmem:$0x10100] =	vst v63  }
0x6e: {  	_ = 	snop  }
0x6f: {  	[tilespmem:s7], [sflag:$0x1] =	stream.indirect_vreg.gather [hbm4b:s1+s3], $0x80, v3, vm0, $0xb8;
	[tilespmem:$0x10100] =	vst v63  }
0x70: {  	s13 =	simm.s32 $0x80;
	s0 =	rddreg [dreg:$0x4]  }
0x71: {  	[tilespmem:s13], [sflag:$0x5] =	stream.linear.gather [hbm4b:s0+s3], $0x80, $0x38;
	[tilespmem:$0x10100] =	vst v63  }
0x72: {  	_ =	swait.ge [sflag:s5], $0x80  }
0x73: {  	[sflag:s5] =	ssyncset.done $0x0  }
0x74: {  	[sflag:s5] =	ssyncadd.s32 $0xFFFFFF80  }
0x75: {  	v3 =	vld [tilespmem:$0x80];
	_ =	sdelay $0x4  }
0x76: {  	v40 =	vshll.u32 v3, $0x1  }
0x77: {  	v3 =	vand.u32 $0x7, v3;
	v4 =	vand.u32 $0xFFFFFFF0, v40  }
0x78: {  	v3 =	vor.u32 v3, v4  }
0x79: {  	v4 =	vperm.xlane v3, v0;
	_ =	sdelay $0x1  }
0x7a: {  	v3 =	vperm.xlane v3, v2;
	v4 =	vadd.s32 v1, v4;
	_ =	sdelay $0x1  }
0x7b: {  	v3 =	vadd.s32 v1, v3;
	_ =	sdelay $0x1  }
0x7c: {  	s0 =	simm.s32 $0x8100  }
0x7d: {  	[tilespmem:s0], [sflag:$0x2] =	stream.indirect_vreg.gather [hbm4b:s1+s3], $0x80, v4, vm0, $0xb8;
	[tilespmem:$0x10100] =	vst v63  }
0x7e: {  	_ = 	snop  }
0x7f: {  	[tilespmem:s9], [sflag:$0x2] =	stream.indirect_vreg.gather [hbm4b:s1+s3], $0x80, v3, vm0, $0xb8;
	[tilespmem:$0x10100] =	vst v63  }
0x80: {  	v3 =	vld [tilespmem:$0x90];
	_ =	sdelay $0x4  }
0x81: {  	v41 =	vshll.u32 v3, $0x1  }
0x82: {  	v3 =	vand.u32 $0x7, v3;
	v4 =	vand.u32 $0xFFFFFFF0, v41  }
0x83: {  	v3 =	vor.u32 v3, v4  }
0x84: {  	v4 =	vperm.xlane v3, v0;
	_ =	sdelay $0x1  }
0x85: {  	v3 =	vperm.xlane v3, v2;
	v4 =	vadd.s32 v1, v4;
	_ =	sdelay $0x1  }
0x86: {  	v3 =	vadd.s32 v1, v3;
	_ =	sdelay $0x2  }
0x87: {  	[tilespmem:s10], [sflag:$0x2] =	stream.indirect_vreg.gather [hbm4b:s1+s3], $0x80, v4, vm0, $0xb8;
	[tilespmem:$0x10100] =	vst v63  }
0x88: {  	_ = 	snop  }
0x89: {  	[tilespmem:s11], [sflag:$0x2] =	stream.indirect_vreg.gather [hbm4b:s1+s3], $0x80, v3, vm0, $0xb8;
	[tilespmem:$0x10100] =	vst v63  }
0x8a: {  	v3 =	vld [tilespmem:$0xA0];
	_ =	sdelay $0x4  }
0x8b: {  	v42 =	vshll.u32 v3, $0x1  }
0x8c: {  	v3 =	vand.u32 $0x7, v3;
	v4 =	vand.u32 $0xFFFFFFF0, v42  }
0x8d: {  	v3 =	vor.u32 v3, v4  }
0x8e: {  	v4 =	vperm.xlane v3, v0;
	_ =	sdelay $0x1  }
0x8f: {  	v3 =	vperm.xlane v3, v2;
	v4 =	vadd.s32 v1, v4;
	_ =	sdelay $0x1  }
0x90: {  	v3 =	vadd.s32 v1, v3;
	_ =	sdelay $0x2  }
0x91: {  	[tilespmem:s12], [sflag:$0x2] =	stream.indirect_vreg.gather [hbm4b:s1+s3], $0x80, v4, vm0, $0xb8;
	[tilespmem:$0x10100] =	vst v63  }
0x92: {  	_ = 	snop  }
0x93: {  	[tilespmem:s23], [sflag:$0x2] =	stream.indirect_vreg.gather [hbm4b:s1+s3], $0x80, v3, vm0, $0xb8;
	[tilespmem:$0x10100] =	vst v63  }
0x94: {  	v3 =	vld [tilespmem:$0xB0];
	_ =	sdelay $0x4  }
0x95: {  	v43 =	vshll.u32 v3, $0x1  }
0x96: {  	v3 =	vand.u32 $0x7, v3;
	v4 =	vand.u32 $0xFFFFFFF0, v43  }
0x97: {  	v3 =	vor.u32 v3, v4  }
0x98: {  	v4 =	vperm.xlane v3, v0;
	_ =	sdelay $0x1  }
0x99: {  	v3 =	vperm.xlane v3, v2;
	v4 =	vadd.s32 v1, v4;
	_ =	sdelay $0x1  }
0x9a: {  	v3 =	vadd.s32 v1, v3;
	_ =	sdelay $0x1  }
0x9b: {  	s13 =	simm.s32 $0xB100  }
0x9c: {  	[tilespmem:s13], [sflag:$0x2] =	stream.indirect_vreg.gather [hbm4b:s1+s3], $0x80, v4, vm0, $0xb8;
	[tilespmem:$0x10100] =	vst v63  }
0x9d: {  	s17 =	simm.s32 $0xB900  }
0x9e: {  	[tilespmem:s17], [sflag:$0x2] =	stream.indirect_vreg.gather [hbm4b:s1+s3], $0x80, v3, vm0, $0xb8;
	[tilespmem:$0x10100] =	vst v63  }
0x9f: {  	v3 =	vld [tilespmem:$0xC0];
	_ =	sdelay $0x4  }
0xa0: {  	v44 =	vshll.u32 v3, $0x1  }
0xa1: {  	v3 =	vand.u32 $0x7, v3;
	v4 =	vand.u32 $0xFFFFFFF0, v44  }
0xa2: {  	v3 =	vor.u32 v3, v4  }
0xa3: {  	v4 =	vperm.xlane v3, v0;
	_ =	sdelay $0x1  }
0xa4: {  	v3 =	vperm.xlane v3, v2;
	v4 =	vadd.s32 v1, v4;
	_ =	sdelay $0x1  }
0xa5: {  	v3 =	vadd.s32 v1, v3;
	_ =	sdelay $0x1  }
0xa6: {  	s17 =	simm.s32 $0xC100  }
0xa7: {  	[tilespmem:s17], [sflag:$0x2] =	stream.indirect_vreg.gather [hbm4b:s1+s3], $0x80, v4, vm0, $0xb8;
	[tilespmem:$0x10100] =	vst v63  }
0xa8: {  	s17 =	simm.s32 $0xC900  }
0xa9: {  	[tilespmem:s17], [sflag:$0x2] =	stream.indirect_vreg.gather [hbm4b:s1+s3], $0x80, v3, vm0, $0xb8;
	[tilespmem:$0x10100] =	vst v63  }
0xaa: {  	v3 =	vld [tilespmem:$0xD0];
	_ =	sdelay $0x4  }
0xab: {  	v45 =	vshll.u32 v3, $0x1  }
0xac: {  	v3 =	vand.u32 $0x7, v3;
	v4 =	vand.u32 $0xFFFFFFF0, v45  }
0xad: {  	v3 =	vor.u32 v3, v4  }
0xae: {  	v4 =	vperm.xlane v3, v0;
	_ =	sdelay $0x1  }
0xaf: {  	v3 =	vperm.xlane v3, v2;
	v4 =	vadd.s32 v1, v4;
	_ =	sdelay $0x1  }
0xb0: {  	v3 =	vadd.s32 v1, v3;
	_ =	sdelay $0x1  }
0xb1: {  	s17 =	simm.s32 $0xD100  }
0xb2: {  	[tilespmem:s17], [sflag:$0x2] =	stream.indirect_vreg.gather [hbm4b:s1+s3], $0x80, v4, vm0, $0xb8;
	[tilespmem:$0x10100] =	vst v63  }
0xb3: {  	s17 =	simm.s32 $0xD900  }
0xb4: {  	[tilespmem:s17], [sflag:$0x2] =	stream.indirect_vreg.gather [hbm4b:s1+s3], $0x80, v3, vm0, $0xb8;
	[tilespmem:$0x10100] =	vst v63  }
0xb5: {  	v3 =	vld [tilespmem:$0xE0];
	_ =	sdelay $0x4  }
0xb6: {  	v46 =	vshll.u32 v3, $0x1  }
0xb7: {  	v3 =	vand.u32 $0x7, v3;
	v4 =	vand.u32 $0xFFFFFFF0, v46  }
0xb8: {  	v3 =	vor.u32 v3, v4  }
0xb9: {  	v4 =	vperm.xlane v3, v0;
	_ =	sdelay $0x1  }
0xba: {  	v3 =	vperm.xlane v3, v2;
	v4 =	vadd.s32 v1, v4;
	_ =	sdelay $0x1  }
0xbb: {  	v3 =	vadd.s32 v1, v3;
	_ =	sdelay $0x1  }
0xbc: {  	s17 =	simm.s32 $0xE100  }
0xbd: {  	[tilespmem:s17], [sflag:$0x2] =	stream.indirect_vreg.gather [hbm4b:s1+s3], $0x80, v4, vm0, $0xb8;
	[tilespmem:$0x10100] =	vst v63  }
0xbe: {  	s17 =	simm.s32 $0xE900  }
0xbf: {  	[tilespmem:s17], [sflag:$0x2] =	stream.indirect_vreg.gather [hbm4b:s1+s3], $0x80, v3, vm0, $0xb8;
	[tilespmem:$0x10100] =	vst v63  }
0xc0: {  	v3 =	vld [tilespmem:$0xF0];
	_ =	sdelay $0x4  }
0xc1: {  	v47 =	vshll.u32 v3, $0x1  }
0xc2: {  	v3 =	vand.u32 $0x7, v3;
	v4 =	vand.u32 $0xFFFFFFF0, v47  }
0xc3: {  	v3 =	vor.u32 v3, v4  }
0xc4: {  	v4 =	vperm.xlane v3, v0;
	_ =	sdelay $0x1  }
0xc5: {  	v3 =	vperm.xlane v3, v2;
	v4 =	vadd.s32 v1, v4;
	_ =	sdelay $0x1  }
0xc6: {  	v3 =	vadd.s32 v1, v3;
	_ =	sdelay $0x1  }
0xc7: {  	s17 =	simm.s32 $0xF100  }
0xc8: {  	[tilespmem:s17], [sflag:$0x2] =	stream.indirect_vreg.gather [hbm4b:s1+s3], $0x80, v4, vm0, $0xb8;
	[tilespmem:$0x10100] =	vst v63  }
0xc9: {  	s17 =	simm.s32 $0xF900  }
0xca: {  	[tilespmem:s17], [sflag:$0x2] =	stream.indirect_vreg.gather [hbm4b:s1+s3], $0x80, v3, vm0, $0xb8;
	[tilespmem:$0x10100] =	vst v63  }
0xcb: {  	_ =	swait.ge [sflag:s8], $0x8000  }
0xcc: {  	[sflag:s8] =	ssyncset.done $0x0  }
0xcd: {  	s13 =	simm.s32 $0x100;
	s17 =	rddreg [dreg:$0x5];
	[sflag:s8] =	ssyncadd.s32 $0xFFFF8000  }
0xce: {  	[hbm4b:s17+s3] =	stream.linear.scatter [tilespmem:s13], [sflag:$0x3], $0x8000, $0x38;
	[tilespmem:$0x10100] =	vst v63  }
0xcf: {  	_ =	swait.ge [sflag:s14], $0x8000  }
0xd0: {  	[sflag:s14] =	ssyncset.done $0x0  }
0xd1: {  	s17 =	rddreg [dreg:$0x6];
	[sflag:s14] =	ssyncadd.s32 $0xFFFF8000  }
0xd2: {  	[tilespmem:s3], [sflag:$0x5] =	stream.linear.gather [hbm4b:s17+s3], $0x80, $0x38;
	[tilespmem:$0x10100] =	vst v63  }
0xd3: {  	_ =	swait.ge [sflag:s5], $0x80  }
0xd4: {  	[sflag:s5] =	ssyncset.done $0x0  }
0xd5: {  	[sflag:s5] =	ssyncadd.s32 $0xFFFFFF80  }
0xd6: {  	v3 =	vld [tilespmem:$0x0];
	_ =	sdelay $0x4  }
0xd7: {  	v48 =	vshll.u32 v3, $0x1  }
0xd8: {  	v3 =	vand.u32 $0x7, v3;
	v4 =	vand.u32 $0xFFFFFFF0, v48  }
0xd9: {  	v3 =	vor.u32 v3, v4  }
0xda: {  	v4 =	vperm.xlane v3, v0;
	_ =	sdelay $0x1  }
0xdb: {  	v3 =	vperm.xlane v3, v2;
	v4 =	vadd.s32 v1, v4;
	_ =	sdelay $0x1  }
0xdc: {  	v3 =	vadd.s32 v1, v3;
	_ =	sdelay $0x2  }
0xdd: {  	[tilespmem:s13], [sflag:$0x1] =	stream.indirect_vreg.gather [hbm4b:s1+s3], $0x80, v4, vm0, $0xb8;
	[tilespmem:$0x10100] =	vst v63  }
0xde: {  	_ = 	snop  }
0xdf: {  	[tilespmem:s18], [sflag:$0x1] =	stream.indirect_vreg.gather [hbm4b:s1+s3], $0x80, v3, vm0, $0xb8;
	[tilespmem:$0x10100] =	vst v63  }
0xe0: {  	v3 =	vld [tilespmem:$0x10];
	_ =	sdelay $0x4  }
0xe1: {  	v49 =	vshll.u32 v3, $0x1  }
0xe2: {  	v3 =	vand.u32 $0x7, v3;
	v4 =	vand.u32 $0xFFFFFFF0, v49  }
0xe3: {  	v3 =	vor.u32 v3, v4  }
0xe4: {  	v4 =	vperm.xlane v3, v0;
	_ =	sdelay $0x1  }
0xe5: {  	v3 =	vperm.xlane v3, v2;
	v4 =	vadd.s32 v1, v4;
	_ =	sdelay $0x1  }
0xe6: {  	v3 =	vadd.s32 v1, v3;
	_ =	sdelay $0x2  }
0xe7: {  	[tilespmem:s19], [sflag:$0x1] =	stream.indirect_vreg.gather [hbm4b:s1+s3], $0x80, v4, vm0, $0xb8;
	[tilespmem:$0x10100] =	vst v63  }
0xe8: {  	_ = 	snop  }
0xe9: {  	[tilespmem:s20], [sflag:$0x1] =	stream.indirect_vreg.gather [hbm4b:s1+s3], $0x80, v3, vm0, $0xb8;
	[tilespmem:$0x10100] =	vst v63  }
0xea: {  	v3 =	vld [tilespmem:$0x20];
	_ =	sdelay $0x4  }
0xeb: {  	v50 =	vshll.u32 v3, $0x1  }
0xec: {  	v3 =	vand.u32 $0x7, v3;
	v4 =	vand.u32 $0xFFFFFFF0, v50  }
0xed: {  	v3 =	vor.u32 v3, v4  }
0xee: {  	v4 =	vperm.xlane v3, v0;
	_ =	sdelay $0x1  }
0xef: {  	v3 =	vperm.xlane v3, v2;
	v4 =	vadd.s32 v1, v4;
	_ =	sdelay $0x1  }
0xf0: {  	v3 =	vadd.s32 v1, v3;
	_ =	sdelay $0x2  }
0xf1: {  	[tilespmem:s21], [sflag:$0x1] =	stream.indirect_vreg.gather [hbm4b:s1+s3], $0x80, v4, vm0, $0xb8;
	[tilespmem:$0x10100] =	vst v63  }
0xf2: {  	_ = 	snop  }
0xf3: {  	[tilespmem:s22], [sflag:$0x1] =	stream.indirect_vreg.gather [hbm4b:s1+s3], $0x80, v3, vm0, $0xb8;
	[tilespmem:$0x10100] =	vst v63  }
0xf4: {  	v3 =	vld [tilespmem:$0x30];
	_ =	sdelay $0x4  }
0xf5: {  	v51 =	vshll.u32 v3, $0x1  }
0xf6: {  	v3 =	vand.u32 $0x7, v3;
	v4 =	vand.u32 $0xFFFFFFF0, v51  }
0xf7: {  	v3 =	vor.u32 v3, v4  }
0xf8: {  	v4 =	vperm.xlane v3, v0;
	_ =	sdelay $0x1  }
0xf9: {  	v3 =	vperm.xlane v3, v2;
	v4 =	vadd.s32 v1, v4;
	_ =	sdelay $0x1  }
0xfa: {  	v3 =	vadd.s32 v1, v3;
	_ =	sdelay $0x2  }
0xfb: {  	[tilespmem:s24], [sflag:$0x1] =	stream.indirect_vreg.gather [hbm4b:s1+s3], $0x80, v4, vm0, $0xb8;
	[tilespmem:$0x10100] =	vst v63  }
0xfc: {  	_ = 	snop  }
0xfd: {  	[tilespmem:s25], [sflag:$0x1] =	stream.indirect_vreg.gather [hbm4b:s1+s3], $0x80, v3, vm0, $0xb8;
	[tilespmem:$0x10100] =	vst v63  }
0xfe: {  	v3 =	vld [tilespmem:$0x40];
	_ =	sdelay $0x4  }
0xff: {  	v52 =	vshll.u32 v3, $0x1  }
0x100: {  	v3 =	vand.u32 $0x7, v3;
	v4 =	vand.u32 $0xFFFFFFF0, v52  }
0x101: {  	v3 =	vor.u32 v3, v4  }
0x102: {  	v4 =	vperm.xlane v3, v0;
	_ =	sdelay $0x1  }
0x103: {  	v3 =	vperm.xlane v3, v2;
	v4 =	vadd.s32 v1, v4;
	_ =	sdelay $0x1  }
0x104: {  	v3 =	vadd.s32 v1, v3;
	_ =	sdelay $0x2  }
0x105: {  	[tilespmem:s26], [sflag:$0x1] =	stream.indirect_vreg.gather [hbm4b:s1+s3], $0x80, v4, vm0, $0xb8;
	[tilespmem:$0x10100] =	vst v63  }
0x106: {  	_ = 	snop  }
0x107: {  	[tilespmem:s28], [sflag:$0x1] =	stream.indirect_vreg.gather [hbm4b:s1+s3], $0x80, v3, vm0, $0xb8;
	[tilespmem:$0x10100] =	vst v63  }
0x108: {  	v3 =	vld [tilespmem:$0x50];
	_ =	sdelay $0x4  }
0x109: {  	v53 =	vshll.u32 v3, $0x1  }
0x10a: {  	v3 =	vand.u32 $0x7, v3;
	v4 =	vand.u32 $0xFFFFFFF0, v53  }
0x10b: {  	v3 =	vor.u32 v3, v4  }
0x10c: {  	v4 =	vperm.xlane v3, v0;
	_ =	sdelay $0x1  }
0x10d: {  	v3 =	vperm.xlane v3, v2;
	v4 =	vadd.s32 v1, v4;
	_ =	sdelay $0x1  }
0x10e: {  	v3 =	vadd.s32 v1, v3;
	_ =	sdelay $0x2  }
0x10f: {  	[tilespmem:s29], [sflag:$0x1] =	stream.indirect_vreg.gather [hbm4b:s1+s3], $0x80, v4, vm0, $0xb8;
	[tilespmem:$0x10100] =	vst v63  }
0x110: {  	_ = 	snop  }
0x111: {  	[tilespmem:s30], [sflag:$0x1] =	stream.indirect_vreg.gather [hbm4b:s1+s3], $0x80, v3, vm0, $0xb8;
	[tilespmem:$0x10100] =	vst v63  }
0x112: {  	v3 =	vld [tilespmem:$0x60];
	_ =	sdelay $0x4  }
0x113: {  	v54 =	vshll.u32 v3, $0x1  }
0x114: {  	v3 =	vand.u32 $0x7, v3;
	v4 =	vand.u32 $0xFFFFFFF0, v54  }
0x115: {  	v3 =	vor.u32 v3, v4  }
0x116: {  	v4 =	vperm.xlane v3, v0;
	_ =	sdelay $0x1  }
0x117: {  	v3 =	vperm.xlane v3, v2;
	v4 =	vadd.s32 v1, v4;
	_ =	sdelay $0x1  }
0x118: {  	v3 =	vadd.s32 v1, v3;
	_ =	sdelay $0x2  }
0x119: {  	[tilespmem:s31], [sflag:$0x1] =	stream.indirect_vreg.gather [hbm4b:s1+s3], $0x80, v4, vm0, $0xb8;
	[tilespmem:$0x10100] =	vst v63  }
0x11a: {  	_ = 	snop  }
0x11b: {  	[tilespmem:s6], [sflag:$0x1] =	stream.indirect_vreg.gather [hbm4b:s1+s3], $0x80, v3, vm0, $0xb8;
	[tilespmem:$0x10100] =	vst v63  }
0x11c: {  	v3 =	vld [tilespmem:$0x70];
	_ =	sdelay $0x4  }
0x11d: {  	v55 =	vshll.u32 v3, $0x1  }
0x11e: {  	v3 =	vand.u32 $0x7, v3;
	v4 =	vand.u32 $0xFFFFFFF0, v55  }
0x11f: {  	v3 =	vor.u32 v3, v4  }
0x120: {  	v4 =	vperm.xlane v3, v0;
	_ =	sdelay $0x1  }
0x121: {  	v3 =	vperm.xlane v3, v2;
	v4 =	vadd.s32 v1, v4;
	_ =	sdelay $0x1  }
0x122: {  	v3 =	vadd.s32 v1, v3;
	_ =	sdelay $0x2  }
0x123: {  	[tilespmem:s2], [sflag:$0x1] =	stream.indirect_vreg.gather [hbm4b:s1+s3], $0x80, v4, vm0, $0xb8;
	[tilespmem:$0x10100] =	vst v63  }
0x124: {  	_ = 	snop  }
0x125: {  	[tilespmem:s7], [sflag:$0x1] =	stream.indirect_vreg.gather [hbm4b:s1+s3], $0x80, v3, vm0, $0xb8;
	[tilespmem:$0x10100] =	vst v63  }
0x126: {  	_ =	swait.ge [sflag:s15], $0x8000  }
0x127: {  	[sflag:s15] =	ssyncset.done $0x0  }
0x128: {  	s2 =	rddreg [dreg:$0x7];
	[sflag:s15] =	ssyncadd.s32 $0xFFFF8000  }
0x129: {  	[hbm4b:s2+s3] =	stream.linear.scatter [tilespmem:s0], [sflag:$0x4], $0x8000, $0x38;
	[tilespmem:$0x10100] =	vst v63  }
0x12a: {  	_ =	swait.ge [sflag:s16], $0x8000  }
0x12b: {  	[sflag:s16] =	ssyncset.done $0x0  }
0x12c: {  	s2 =	simm.s32 $0x80;
	s17 =	rddreg [dreg:$0x8];
	[sflag:s16] =	ssyncadd.s32 $0xFFFF8000  }
0x12d: {  	[tilespmem:s2], [sflag:$0x5] =	stream.linear.gather [hbm4b:s17+s3], $0x80, $0x38;
	[tilespmem:$0x10100] =	vst v63  }
0x12e: {  	_ =	swait.ge [sflag:s5], $0x80  }
0x12f: {  	[sflag:s5] =	ssyncset.done $0x0  }
0x130: {  	[sflag:s5] =	ssyncadd.s32 $0xFFFFFF80  }
0x131: {  	v3 =	vld [tilespmem:$0x80];
	_ =	sdelay $0x4  }
0x132: {  	v56 =	vshll.u32 v3, $0x1  }
0x133: {  	v3 =	vand.u32 $0x7, v3;
	v4 =	vand.u32 $0xFFFFFFF0, v56  }
0x134: {  	v3 =	vor.u32 v3, v4  }
0x135: {  	v4 =	vperm.xlane v3, v0;
	_ =	sdelay $0x1  }
0x136: {  	v3 =	vperm.xlane v3, v2;
	v4 =	vadd.s32 v1, v4;
	_ =	sdelay $0x1  }
0x137: {  	v3 =	vadd.s32 v1, v3;
	_ =	sdelay $0x2  }
0x138: {  	[tilespmem:s0], [sflag:$0x2] =	stream.indirect_vreg.gather [hbm4b:s1+s3], $0x80, v4, vm0, $0xb8;
	[tilespmem:$0x10100] =	vst v63  }
0x139: {  	_ = 	snop  }
0x13a: {  	[tilespmem:s9], [sflag:$0x2] =	stream.indirect_vreg.gather [hbm4b:s1+s3], $0x80, v3, vm0, $0xb8;
	[tilespmem:$0x10100] =	vst v63  }
0x13b: {  	v3 =	vld [tilespmem:$0x90];
	_ =	sdelay $0x4  }
0x13c: {  	v57 =	vshll.u32 v3, $0x1  }
0x13d: {  	v3 =	vand.u32 $0x7, v3;
	v4 =	vand.u32 $0xFFFFFFF0, v57  }
0x13e: {  	v3 =	vor.u32 v3, v4  }
0x13f: {  	v4 =	vperm.xlane v3, v0;
	_ =	sdelay $0x1  }
0x140: {  	v3 =	vperm.xlane v3, v2;
	v4 =	vadd.s32 v1, v4;
	_ =	sdelay $0x1  }
0x141: {  	v3 =	vadd.s32 v1, v3;
	_ =	sdelay $0x2  }
0x142: {  	[tilespmem:s10], [sflag:$0x2] =	stream.indirect_vreg.gather [hbm4b:s1+s3], $0x80, v4, vm0, $0xb8;
	[tilespmem:$0x10100] =	vst v63  }
0x143: {  	_ = 	snop  }
0x144: {  	[tilespmem:s11], [sflag:$0x2] =	stream.indirect_vreg.gather [hbm4b:s1+s3], $0x80, v3, vm0, $0xb8;
	[tilespmem:$0x10100] =	vst v63  }
0x145: {  	v3 =	vld [tilespmem:$0xA0];
	_ =	sdelay $0x4  }
0x146: {  	v58 =	vshll.u32 v3, $0x1  }
0x147: {  	v3 =	vand.u32 $0x7, v3;
	v4 =	vand.u32 $0xFFFFFFF0, v58  }
0x148: {  	v3 =	vor.u32 v3, v4  }
0x149: {  	v4 =	vperm.xlane v3, v0;
	_ =	sdelay $0x1  }
0x14a: {  	v3 =	vperm.xlane v3, v2;
	v4 =	vadd.s32 v1, v4;
	_ =	sdelay $0x1  }
0x14b: {  	v3 =	vadd.s32 v1, v3;
	_ =	sdelay $0x2  }
0x14c: {  	[tilespmem:s12], [sflag:$0x2] =	stream.indirect_vreg.gather [hbm4b:s1+s3], $0x80, v4, vm0, $0xb8;
	[tilespmem:$0x10100] =	vst v63  }
0x14d: {  	_ = 	snop  }
0x14e: {  	[tilespmem:s23], [sflag:$0x2] =	stream.indirect_vreg.gather [hbm4b:s1+s3], $0x80, v3, vm0, $0xb8;
	[tilespmem:$0x10100] =	vst v63  }
0x14f: {  	v3 =	vld [tilespmem:$0xB0];
	_ =	sdelay $0x4  }
0x150: {  	v59 =	vshll.u32 v3, $0x1  }
0x151: {  	v3 =	vand.u32 $0x7, v3;
	v4 =	vand.u32 $0xFFFFFFF0, v59  }
0x152: {  	v3 =	vor.u32 v3, v4  }
0x153: {  	v4 =	vperm.xlane v3, v0;
	_ =	sdelay $0x1  }
0x154: {  	v3 =	vperm.xlane v3, v2;
	v4 =	vadd.s32 v1, v4;
	_ =	sdelay $0x1  }
0x155: {  	v3 =	vadd.s32 v1, v3;
	_ =	sdelay $0x1  }
0x156: {  	s17 =	simm.s32 $0xB100  }
0x157: {  	[tilespmem:s17], [sflag:$0x2] =	stream.indirect_vreg.gather [hbm4b:s1+s3], $0x80, v4, vm0, $0xb8;
	[tilespmem:$0x10100] =	vst v63  }
0x158: {  	s17 =	simm.s32 $0xB900  }
0x159: {  	[tilespmem:s17], [sflag:$0x2] =	stream.indirect_vreg.gather [hbm4b:s1+s3], $0x80, v3, vm0, $0xb8;
	[tilespmem:$0x10100] =	vst v63  }
0x15a: {  	v3 =	vld [tilespmem:$0xC0];
	_ =	sdelay $0x4  }
0x15b: {  	v60 =	vshll.u32 v3, $0x1  }
0x15c: {  	v3 =	vand.u32 $0x7, v3;
	v4 =	vand.u32 $0xFFFFFFF0, v60  }
0x15d: {  	v3 =	vor.u32 v3, v4  }
0x15e: {  	v4 =	vperm.xlane v3, v0;
	_ =	sdelay $0x1  }
0x15f: {  	v3 =	vperm.xlane v3, v2;
	v4 =	vadd.s32 v1, v4;
	_ =	sdelay $0x1  }
0x160: {  	v3 =	vadd.s32 v1, v3;
	_ =	sdelay $0x1  }
0x161: {  	s17 =	simm.s32 $0xC100  }
0x162: {  	[tilespmem:s17], [sflag:$0x2] =	stream.indirect_vreg.gather [hbm4b:s1+s3], $0x80, v4, vm0, $0xb8;
	[tilespmem:$0x10100] =	vst v63  }
0x163: {  	s17 =	simm.s32 $0xC900  }
0x164: {  	[tilespmem:s17], [sflag:$0x2] =	stream.indirect_vreg.gather [hbm4b:s1+s3], $0x80, v3, vm0, $0xb8;
	[tilespmem:$0x10100] =	vst v63  }
0x165: {  	v3 =	vld [tilespmem:$0xD0];
	_ =	sdelay $0x4  }
0x166: {  	v61 =	vshll.u32 v3, $0x1  }
0x167: {  	v3 =	vand.u32 $0x7, v3;
	v4 =	vand.u32 $0xFFFFFFF0, v61  }
0x168: {  	v3 =	vor.u32 v3, v4  }
0x169: {  	v4 =	vperm.xlane v3, v0;
	_ =	sdelay $0x1  }
0x16a: {  	v3 =	vperm.xlane v3, v2;
	v4 =	vadd.s32 v1, v4;
	_ =	sdelay $0x1  }
0x16b: {  	v3 =	vadd.s32 v1, v3;
	_ =	sdelay $0x1  }
0x16c: {  	s17 =	simm.s32 $0xD100  }
0x16d: {  	[tilespmem:s17], [sflag:$0x2] =	stream.indirect_vreg.gather [hbm4b:s1+s3], $0x80, v4, vm0, $0xb8;
	[tilespmem:$0x10100] =	vst v63  }
0x16e: {  	s17 =	simm.s32 $0xD900  }
0x16f: {  	[tilespmem:s17], [sflag:$0x2] =	stream.indirect_vreg.gather [hbm4b:s1+s3], $0x80, v3, vm0, $0xb8;
	[tilespmem:$0x10100] =	vst v63  }
0x170: {  	v3 =	vld [tilespmem:$0xE0];
	_ =	sdelay $0x4  }
0x171: {  	v62 =	vshll.u32 v3, $0x1  }
0x172: {  	v3 =	vand.u32 $0x7, v3;
	v4 =	vand.u32 $0xFFFFFFF0, v62  }
0x173: {  	v3 =	vor.u32 v3, v4  }
0x174: {  	v4 =	vperm.xlane v3, v0;
	_ =	sdelay $0x1  }
0x175: {  	v3 =	vperm.xlane v3, v2;
	v4 =	vadd.s32 v1, v4;
	_ =	sdelay $0x1  }
0x176: {  	v3 =	vadd.s32 v1, v3;
	_ =	sdelay $0x1  }
0x177: {  	s17 =	simm.s32 $0xE100  }
0x178: {  	[tilespmem:s17], [sflag:$0x2] =	stream.indirect_vreg.gather [hbm4b:s1+s3], $0x80, v4, vm0, $0xb8;
	[tilespmem:$0x10100] =	vst v63  }
0x179: {  	s17 =	simm.s32 $0xE900  }
0x17a: {  	[tilespmem:s17], [sflag:$0x2] =	stream.indirect_vreg.gather [hbm4b:s1+s3], $0x80, v3, vm0, $0xb8;
	[tilespmem:$0x10100] =	vst v63  }
0x17b: {  	v3 =	vld [tilespmem:$0xF0];
	_ =	sdelay $0x4  }
0x17c: {  	v63 =	vshll.u32 v3, $0x1  }
0x17d: {  	v3 =	vand.u32 $0x7, v3;
	v4 =	vand.u32 $0xFFFFFFF0, v63  }
0x17e: {  	v3 =	vor.u32 v3, v4  }
0x17f: {  	v4 =	vperm.xlane v3, v0;
	_ =	sdelay $0x1  }
0x180: {  	v3 =	vperm.xlane v3, v2;
	v4 =	vadd.s32 v1, v4;
	_ =	sdelay $0x1  }
0x181: {  	v3 =	vadd.s32 v1, v3;
	_ =	sdelay $0x1  }
0x182: {  	s17 =	simm.s32 $0xF100  }
0x183: {  	[tilespmem:s17], [sflag:$0x2] =	stream.indirect_vreg.gather [hbm4b:s1+s3], $0x80, v4, vm0, $0xb8;
	[tilespmem:$0x10100] =	vst v63  }
0x184: {  	s17 =	simm.s32 $0xF900  }
0x185: {  	[tilespmem:s17], [sflag:$0x2] =	stream.indirect_vreg.gather [hbm4b:s1+s3], $0x80, v3, vm0, $0xb8;
	[tilespmem:$0x10100] =	vst v63  }
0x186: {  	_ =	swait.ge [sflag:s8], $0x8000  }
0x187: {  	[sflag:s8] =	ssyncset.done $0x0  }
0x188: {  	s13 =	simm.s32 $0x100;
	s2 =	rddreg [dreg:$0x9];
	[sflag:s8] =	ssyncadd.s32 $0xFFFF8000  }
0x189: {  	[hbm4b:s2+s3] =	stream.linear.scatter [tilespmem:s13], [sflag:$0x3], $0x8000, $0x38;
	[tilespmem:$0x10100] =	vst v63  }
0x18a: {  	_ =	swait.ge [sflag:s15], $0x8000  }
0x18b: {  	[sflag:s15] =	ssyncset.done $0x0  }
0x18c: {  	s13 =	rddreg [dreg:$0xa];
	[sflag:s15] =	ssyncadd.s32 $0xFFFF8000  }
0x18d: {  	[hbm4b:s13+s3] =	stream.linear.scatter [tilespmem:s0], [sflag:$0x4], $0x8000, $0x38;
	[tilespmem:$0x10100] =	vst v63  }
0x18e: {  	p0 =	sne.s32 s4, $0x1;
	_ =	swait.ge [sflag:s14], $0x8000  }
.Ltmp0:
0x18f: {  	[sflag:s14] =	ssyncset.done $0x0;
	(pc) =	sbr.rel @p0 .LBB2_1-.Ltmp0, $4  }
0x190: {  	[sflag:s14] =	ssyncadd.s32 $0xFFFF8000  }
0x191: {  	_ =	swait.ge [sflag:s16], $0x8000  }
0x192: {  	[sflag:s16] =	ssyncset.done $0x0  }
0x193: {  	s4 =	sadd.s32 $0xFFFFFFFF, s4;
	[sflag:s16] =	ssyncadd.s32 $0xFFFF8000  }
0x194: {  	_ =	sfence.sel $0x180000  }
0x195: {  	[bflag:$0x0] =	sbarrier.arrive $0xFFFF  }
0x196: {  	_ =	strace $0x9000004A  }
0x197: {  	s0 =	stileid.u32;
	[bflag:$0x2] =	sbarrier.arrive $0xFFFF  }
0x198: {  	p0 =	sne.s32 s0, $0x0;
	s0 =	rddreg [dreg:$0x2]  }
0x199: {  	s0 =	sadd.s32 @!p0 $0x100000, s0  }
0x19a: {  	[sflag:s0] =	ssyncadd.tile.s32 @!p0 $0x1;
	_ =	shalt  }
.Lfunc_end2:
_tile_overlayer_lowered:
.L_overlay_start_2:
0x19b: {  	(tag) =	ssettag $0x2  }
0x19c: {  	s0 =	rddreg [dreg:$0x0];
	s2 =	stileid.u32  }
0x19d: {  	s1 =	rddreg [dreg:$0x1];
	p0 =	sne.s32 s2, $0x0  }
0x19e: {  	s3 =	rddreg [dreg:$0x2];
	[bflag:$0x3] =	sbarrier.arrive $0xFFFF;
	s2 =	simm.s32 @!p0 $0x1C05  }
0x19f: {  	[timem:s3], [sflag:s2] =	dma.local @!p0 [hbm:s0], s1  }
0x1a0: {  	s0 =	simm.s32 @!p0 $0x5  }
0x1a1: {  	_ =	swait.ge @!p0 [sflag:s0], s1  }
0x1a2: {  	s1 =	ssub.s32 @!p0 $0x0, s1;
	[sflag:s0] =	ssyncset.done @!p0 $0x0  }
0x1a3: {  	[sflag:s0] =	ssyncadd.s32 @!p0 s1  }
0x1a4: {  	[bflag:$0x3] =	sbarrier.arrive $0xFFFF  }
0x1a5: {  	_ =	shalt  }

// kernel: kernel.7.cloned.1.call-start
scs
__scs_entry_jumppad:
0x0: {  	(pc) =	sbr.rel $0x88, $3  }
0x1: {  	(tag) =	ssettag $0x0;
	lr =	simm.s32 $0x1  }
0x2: {  	[smem:$0x3F9F] =	sst lr;
	_ =	strace $0xD0000000  }
0x3: {  	_ = 	snop  }
0x4: {  	_ = 	snop  }
0x5: {  	_ = 	snop  }
0x6: {  	_ = 	snop  }
0x7: {  	_ = 	snop  }
__scs_overlays_trampoline_lowered:
0x8: {  	[smem:$0x3FAE] =	sst s0  }
0x9: {  	[smem:$0x3FAF] =	sst s1  }
0xa: {  	[smem:$0x3FB0] =	sst s2  }
0xb: {  	[smem:$0x3FB1] =	sst s3  }
0xc: {  	[smem:$0x3FB2] =	sst s4  }
0xd: {  	[smem:$0x3FB3] =	sst s5  }
0xe: {  	[smem:$0x3FB4] =	sst s6  }
0xf: {  	[smem:$0x3FB5] =	sst s7  }
0x10: {  	[smem:$0x3FB6] =	sst s8  }
0x11: {  	[smem:$0x3FB7] =	sst s9;
	s0 =	simm.s32 @!p0 $0x0  }
0x12: {  	s1 =	sld [smem:$0x3F9D];
	s0 =	simm.s32 @p0 $0x1  }
0x13: {  	[smem:$0x3FB8] =	sst s0;
	s0 =	simm.s32 @!p1 $0x0  }
0x14: {  	s2 =	sld [smem:$0x3F9C];
	s0 =	simm.s32 @p1 $0x1  }
0x15: {  	[smem:$0x3FB9] =	sst s0;
	s0 =	simm.s32 @!p2 $0x0  }
0x16: {  	s3 =	sld [smem:$0x3FDB];
	s0 =	simm.s32 @p2 $0x1  }
0x17: {  	s4 =	simm.s32 $0x1BF5;
	[smem:$0x3FBB] =	sst s0  }
0x18: {  	s0 =	sld [smem:$0x3F9E];
	_ =	swait.ge [sflag:s4], $0x0  }
0x19: {  	s7 =	sld [smem:$0x3F9F]  }
0x1a: {  	s8 =	sadd.s32 $0xFFFFE003, lr  }
0x1b: {  	s9 =	sadd.s32 $0xFFFFFEF7, lr;
	s5 =	simm.s32 $0xFFFFFFFF;
	p2 =	slt.u32 s8, $0xFFFFF086  }
0x1c: {  	p1 =	slt.u32 s9, $0xF7A;
	s5 =	simm.s32 @!p2 $0x0  }
0x1d: {  	s5 =	simm.s32 @p1 $0x1;
	p0 =	seq.s32 s7, s2  }
0x1e: {  	s7 =	smul.u32 @!p0 $0xF7A, s2;
	p2 =	seq.s32 @!p0 s5, $0x0  }
0x1f: {  	s9 =	smul.u32 $0xF7A, s1;
	s8 =	simm.s32 @!p0 $0x1BF5;
	p2 =	por !p2, p0  }
0x20: {  	[sflag:s8] =	ssyncset.s32 @!p0 $0xFFFFF086;
	s6 =	sadd.s32 @!p0 s3, s7;
	s7 =	simm.s32 @!p0 $0x108  }
0x21: {  	s3 =	sadd.s32 s3, s9;
	s6 =	sadd.s32 @!p0 $0x88, s6;
	s7 =	simm.s32 @p2 $0x1082  }
0x22: {  	[simem:s7], [sflag:s8] =	dma.local @!p0 [hbm:s6], $0xF7A  }
0x23: {  	s9 =	sor.u32 $0xD0000000, s2;
	s6 =	simm.s32 $0x108;
	_ =	swait.ge @!p0 [sflag:s8], $0x0  }
0x24: {  	s3 =	sadd.s32 $0x88, s3;
	s6 =	simm.s32 @!p1 $0x1082;
	[sflag:s4] =	ssyncset.s32 $0xFFFFF086  }
0x25: {  	[simem:s6], [sflag:s4] =	dma.local [hbm:s3], $0xF7A  }
0x26: {  	[smem:$0x3F9F] =	sst s1;
	(tag) =	ssettag s2;
	_ =	strace s9  }
0x27: {  	s1 =	sld [smem:$0x3FAF]  }
0x28: {  	s2 =	sld [smem:$0x3FB0]  }
0x29: {  	s4 =	sld [smem:$0x3FB2]  }
0x2a: {  	p0 =	seq.s32 s5, $0x0;
	s5 =	sld [smem:$0x3FB3]  }
0x2b: {  	s6 =	sld [smem:$0x3FB4]  }
0x2c: {  	s7 =	sld [smem:$0x3FB5]  }
0x2d: {  	s3 =	simm.s32 $0x108;
	s8 =	sld [smem:$0x3FB6]  }
0x2e: {  	s3 =	simm.s32 @!p0 $0x1082;
	s9 =	sld [smem:$0x3FB7]  }
0x2f: {  	lr =	sadd.s32 s0, s3;
	s0 =	sld [smem:$0x3FAE]  }
0x30: {  	s3 =	sld [smem:$0x3FB1]  }
0x31: {  	[smem:$0x3FBA] =	sst s10  }
0x32: {  	s10 =	sld [smem:$0x3FB8];
	_ =	sdelay $0x3  }
0x33: {  	p0 =	seq.s32 s10, $0x1;
	s10 =	sld [smem:$0x3FBA];
	_ =	sdelay $0x3  }
0x34: {  	[smem:$0x3FBA] =	sst s10  }
0x35: {  	s10 =	sld [smem:$0x3FB9];
	_ =	sdelay $0x3  }
0x36: {  	p1 =	seq.s32 s10, $0x1;
	s10 =	sld [smem:$0x3FBA];
	_ =	sdelay $0x3  }
0x37: {  	[smem:$0x3FBA] =	sst s10  }
0x38: {  	s10 =	sld [smem:$0x3FBB]  }
0x39: {  	_ = 	snop;
	(pc) =	sbr.ind lr, $3  }
0x3a: {  	_ = 	snop  }
0x3b: {  	_ = 	snop  }
0x3c: {  	p2 =	seq.s32 s10, $0x1;
	s10 =	sld [smem:$0x3FBA]  }
0x3d: {  	_ =	shalt  }
0x3e: {  	_ =	shalt  }
0x3f: {  	_ =	shalt  }
0x40: {  	_ =	shalt  }
0x41: {  	_ =	shalt  }
0x42: {  	_ =	shalt  }
0x43: {  	_ =	shalt  }
0x44: {  	_ =	shalt  }
0x45: {  	_ =	shalt  }
0x46: {  	_ =	shalt  }
0x47: {  	_ =	shalt  }
0x48: {  	_ =	shalt  }
0x49: {  	_ =	shalt  }
0x4a: {  	_ =	shalt  }
0x4b: {  	_ =	shalt  }
0x4c: {  	_ =	shalt  }
0x4d: {  	_ =	shalt  }
0x4e: {  	_ =	shalt  }
0x4f: {  	_ =	shalt  }
0x50: {  	_ =	shalt  }
0x51: {  	_ =	shalt  }
0x52: {  	_ =	shalt  }
0x53: {  	_ =	shalt  }
0x54: {  	_ =	shalt  }
0x55: {  	_ =	shalt  }
0x56: {  	_ =	shalt  }
0x57: {  	_ =	shalt  }
0x58: {  	_ =	shalt  }
0x59: {  	_ =	shalt  }
0x5a: {  	_ =	shalt  }
0x5b: {  	_ =	shalt  }
0x5c: {  	_ =	shalt  }
0x5d: {  	_ =	shalt  }
0x5e: {  	_ =	shalt  }
0x5f: {  	_ =	shalt  }
0x60: {  	_ =	shalt  }
0x61: {  	_ =	shalt  }
0x62: {  	_ =	shalt  }
0x63: {  	_ =	shalt  }
0x64: {  	_ =	shalt  }
0x65: {  	_ =	shalt  }
0x66: {  	_ =	shalt  }
0x67: {  	_ =	shalt  }
0x68: {  	_ =	shalt  }
0x69: {  	_ =	shalt  }
0x6a: {  	_ =	shalt  }
0x6b: {  	_ =	shalt  }
0x6c: {  	_ =	shalt  }
0x6d: {  	_ =	shalt  }
0x6e: {  	_ =	shalt  }
0x6f: {  	_ =	shalt  }
0x70: {  	_ =	shalt  }
0x71: {  	_ =	shalt  }
0x72: {  	_ =	shalt  }
0x73: {  	_ =	shalt  }
0x74: {  	_ =	shalt  }
0x75: {  	_ =	shalt  }
0x76: {  	_ =	shalt  }
0x77: {  	_ =	shalt  }
0x78: {  	_ =	shalt  }
0x79: {  	_ =	shalt  }
0x7a: {  	_ =	shalt  }
0x7b: {  	_ =	shalt  }
0x7c: {  	_ =	shalt  }
0x7d: {  	_ =	shalt  }
0x7e: {  	_ =	shalt  }
0x7f: {  	_ =	shalt  }
0x80: {  	_ =	shalt  }
0x81: {  	_ =	shalt  }
0x82: {  	_ =	shalt  }
0x83: {  	_ =	shalt  }
0x84: {  	_ =	shalt  }
0x85: {  	_ =	shalt  }
0x86: {  	_ =	shalt  }
0x87: {  	_ =	shalt  }
.Lfunc_end0:
.L_simem_size_0:
called_computation_lowered:
.L_overlay_start_0:
0x88: {  	s2 =	sld [smem:$0x3FD9]  }
0x89: {  	s3 =	sld [smem:$0x3FFE];
	_ =	sdelay $0x1  }
0x8a: {  	s1 =	srdreg.scid  }
0x8b: {  	s0 =	sand.u32 $0x1, s1  }
0x8c: {  	s14 =	sshll.u32 s0, $0xA;
	s2 =	sadd.s32 s3, s2  }
0x8d: {  	s2 =	sadd.s32 s2, s14  }
0x8e: {  	[smem:$0x3FC6] =	sst s2  }
0x8f: {  	_ = 	snop  }
0x90: {  	s2 =	sld [smem:$0x3FD0];
	_ =	sdelay $0x2  }
0x91: {  	s4 =	simm.s32 $0xB;
	s5 =	simm.s32 $0x10;
	s15 =	sld [smem:$0x3FC8]  }
0x92: {  	[smem:s5], [sflag:s4] =	dma.local [hbm:s2], $0x1  }
0x93: {  	_ =	swait.eq [sflag:s4], $0x1  }
0x94: {  	[sflag:s4] =	ssyncset.done $0x0  }
0x95: {  	[sflag:s4] =	ssyncadd.s32 $0xFFFFFFFF  }
0x96: {  	s16 =	sld [smem:$0x10];
	(tm) =	ssettm $0x1  }
0x97: {  	s17 =	sld [smem:$0x3FFB];
	_ =	sdelay $0x3  }
0x98: {  	_ =	strace s17  }
0x99: {  	s4 =	sld [smem:$0x3FFC];
	_ =	sdelay $0x3  }
0x9a: {  	_ =	strace s4  }
0x9b: {  	s4 =	sld [smem:$0x3FFD];
	_ =	sdelay $0x3  }
0x9c: {  	_ =	strace s4  }
0x9d: {  	_ =	strace $0x8FFFFFFF  }
0x9e: {  	s18 =	sld [smem:$0x3FDB];
	_ =	sdelay $0x1  }
0x9f: {  	s19 =	simm.s32 $_scs_section_size  }
0xa0: {  	s6 =	simm.s32 $_size__tile_overlayer_lowered;
	s7 =	simm.s32 $_tile_overlayer_lowered  }
0xa1: {  	s22 =	simm.s32 $0x1BFF;
	s21 =	sshll.u32 s7, $0x1;
	s4 =	sadd.s32 s19, s18  }
0xa2: {  	s8 =	simm.s32 $0x0;
	s20 =	sshll.u32 s6, $0x1;
	s6 =	sadd.s32 s21, s4  }
0xa3: {  	[timem:s8], [sflag:s22] =	dma.local [hbm:s6], s20  }
0xa4: {  	_ =	swait.ge [sflag:s22], s20  }
0xa5: {  	s5 =	ssub.s32 $0x0, s20;
	[sflag:s22] =	ssyncset.done $0x0  }
0xa6: {  	[sflag:s22] =	ssyncadd.s32 s5;
	_ =	sdelay $0x1  }
0xa7: {  	s23 =	simm.s32 $0x1B8B  }
0xa8: {  	_ =	swait.ge [sflag:s23], $0x1  }
0xa9: {  	[sflag:s23] =	ssyncset.done $0x0  }
0xaa: {  	s25 =	simm.s32 $0x1B8E;
	s24 =	sld [smem:$0x3FFE];
	[sflag:s23] =	ssyncadd.s32 $0xFFFFFFFF  }
0xab: {  	s26 =	simm.s32 $execute0_lowered;
	[smem:$0x3FD2] =	sst s25  }
0xac: {  	s6 =	sshll.u32 s26, $0x1;
	_ =	strace $0x80000046;
	[dreg:$0x1] =	wrdreg $0xFFFFFFFF  }
0xad: {  	s28 =	simm.s32 $_size_execute0_lowered;
	s4 =	sadd.s32 s4, s6;
	[dreg:$0x0] =	wrdreg $0x0  }
0xae: {  	s6 =	sshll.u32 s28, $0x1;
	[dreg:$0x2] =	wrdreg s4  }
0xaf: {  	[dreg:$0x3] =	wrdreg s6  }
0xb0: {  	[dreg:$0x4] =	wrdreg $0xC0  }
0xb1: {  	_ =	task [dreg:s8], $0x5FFFF  }
0xb2: {  	[dreg:$0x1] =	wrdreg $0xFFFFFFFF  }
0xb3: {  	[dreg:$0x0] =	wrdreg $0x60  }
0xb4: {  	[dreg:$0x2] =	wrdreg s15  }
0xb5: {  	[dreg:$0x3] =	wrdreg s16  }
0xb6: {  	[dreg:$0x4] =	wrdreg s24  }
0xb7: {  	[dreg:$0x5] =	wrdreg $0x9  }
0xb8: {  	_ =	task.clear_ibuf [dreg:s8], $0x6FFFF;
	_ =	strace $0x90000046  }
0xb9: {  	s29 =	simm.s32 $0x9;
	_ =	strace $0x80000048  }
0xba: {  	_ =	swait.ge [sflag:s29], $0x1  }
0xbb: {  	[sflag:s29] =	ssyncadd.s32 $0xFFFFFFFF  }
0xbc: {  	_ =	strace $0x90000048  }
0xbd: {  	_ =	sfence  }
0xbe: {  	s30 =	sld [smem:$0x0];
	_ =	sdelay $0x2  }
0xbf: {  	s31 =	sshll.u32 s1, $0xD;
	s1 =	sshrl.u32 s1, $0x2  }
0xc0: {  	s3 =	sand.u32 $0x4000, s31;
	s1 =	sadd.s32 s1, s30  }
0xc1: {  	s0 =	sor.u32 s3, s0;
	s1 =	sshll.u32 s1, $0x11  }
0xc2: {  	s0 =	sor.u32 s1, s0  }
0xc3: {  	s0 =	sadd.s32 $0x8F2B, s0  }
0xc4: {  	[sflag:s0] =	ssyncadd.remote.s32 $0x1  }
0xc5: {  	_ =	sfence.sel $0xFFFF  }
0xc6: {  	[dreg:$0x0] =	wrdreg $0xFFFFFFFF;
	(pc) =	sbr.abs _section_cstart, $3  }
0xc7: {  	[dreg:$0x1] =	wrdreg $0xFFFFFFFF  }
0xc8: {  	_ =	task.clear_ibuf [dreg:s8], $0x2FFFF;
	_ =	strace $0x9FFFFFFF  }
0xc9: {  	(tm) =	ssettm $0x7FFFFFFF  }
tec
execute0_lowered:
.L_overlay_start_1:
0x0: {  	(tag) =	ssettag $0x1  }
0x1: {  	s1 =	rddreg [dreg:$0x0]  }
0x2: {  	s0 =	rddreg [dreg:$0x1]  }
0x3: {  	s2 =	rddreg [dreg:$0x2]  }
0x4: {  	s3 =	srdreg.scid;
	s5 =	stileid.u32  }
0x5: {  	s14 =	simm.s32 $0x3;
	s28 =	simm.s32 $0x4900;
	s29 =	simm.s32 $0x5100  }
0x6: {  	s30 =	simm.s32 $0x5900;
	s31 =	simm.s32 $0x6100;
	s9 =	simm.s32 $0x8900  }
0x7: {  	s10 =	simm.s32 $0x9100;
	s11 =	simm.s32 $0x9900;
	s12 =	simm.s32 $0xA100  }
0x8: {  	s4 =	sand.u32 $0x1, s3;
	s3 =	simm.s32 $0x0;
	s5 =	sshll.u32 s5, $0xA  }
0x9: {  	s2 =	sadd.s32 $0x1A00, s2;
	s6 =	sshll.u32 s4, $0x9;
	[smem:$0x7FF] =	sst s3  }
0xa: {  	s4 =	ssub.s32 $0x2, s4;
	s5 =	sor.u32 s6, s5;
	_ =	strace $0x80000047  }
0xb: {  	s24 =	sshrl.u32 s4, $0x1;
	s6 =	sshrl.u32 s5, $0x3;
	s7 =	sor.u32 $0x80, s5  }
0xc: {  	s16 =	sshll.u32 s5, $0x5;
	s18 =	sor.u32 $0x100, s5;
	s5 =	sor.u32 $0x180, s5  }
0xd: {  	s26 =	ssub.s32 s4, s24;
	s24 =	simm.s32 $0x3100;
	s6 =	sadd.s32 s0, s6  }
0xe: {  	s8 =	sshrl.u32 s7, $0x3;
	s17 =	sadd.s32 s2, s16;
	s19 =	sshrl.u32 s18, $0x3  }
0xf: {  	s7 =	sshll.u32 s7, $0x5;
	s21 =	sshrl.u32 s5, $0x3;
	s22 =	sshll.u32 s18, $0x5  }
0x10: {  	s5 =	sshll.u32 s5, $0x5;
	s4 =	smax.u32 s26, $0x1;
	s16 =	simm.s32 $0x4  }
0x11: {  	s18 =	simm.s32 $0x900;
	s26 =	simm.s32 $0x4100;
	[dreg:$0x4] =	wrdreg s6  }
0x12: {  	s15 =	sadd.s32 s0, s8;
	[dreg:$0x6] =	wrdreg s17;
	s6 =	sadd.s32 s0, s19  }
0x13: {  	s20 =	sadd.s32 s2, s7;
	s0 =	sadd.s32 s0, s21;
	[dreg:$0x5] =	wrdreg s15  }
0x14: {  	s23 =	sadd.s32 s2, s22;
	s25 =	sadd.s32 s2, s5;
	[dreg:$0x7] =	wrdreg s6  }
0x15: {  	s5 =	simm.s32 $0x5;
	s8 =	simm.s32 $0x1;
	[dreg:$0x8] =	wrdreg s20  }
0x16: {  	s19 =	simm.s32 $0x1100;
	s21 =	simm.s32 $0x2100;
	[dreg:$0x9] =	wrdreg s0  }
0x17: {  	v2 =	vlaneseq.u32;
	s22 =	simm.s32 $0x2900;
	s7 =	simm.s32 $0x7900;
	[dreg:$0xa] =	wrdreg s23  }
0x18: {  	vm0 =	vmmov $0xffff;
	v1 =	vshrl.u32 v2, $0x3;
	[dreg:$0xb] =	wrdreg s25;
	s15 =	simm.s32 $0x2;
	s20 =	simm.s32 $0x1900  }
0x19: {  	v0 =	vand.u32 $0x7, v2;
	v2 =	vor.u32 $0x8, v2;
	v1 =	vmul.u32 $0x8, v1;
	s25 =	simm.s32 $0x3900;
	s6 =	simm.s32 $0x6900;
	s23 =	simm.s32 $0xA900  }
.LBB2_1:
0x1a: {  	s17 =	rddreg [dreg:$0x4]  }
0x1b: {  	[tilespmem:s3], [sflag:$0x5] =	stream.linear.gather [hbm4b:s17+s3], $0x80, $0x38;
	[tilespmem:$0x10100] =	vst v63  }
0x1c: {  	_ =	swait.ge [sflag:s5], $0x80  }
0x1d: {  	[sflag:s5] =	ssyncset.done $0x0  }
0x1e: {  	[sflag:s5] =	ssyncadd.s32 $0xFFFFFF80  }
0x1f: {  	v3 =	vld [tilespmem:$0x0];
	_ =	sdelay $0x4  }
0x20: {  	v4 =	vshll.u32 v3, $0x1  }
0x21: {  	v3 =	vand.u32 $0x7, v3;
	v4 =	vand.u32 $0xFFFFFFF0, v4  }
0x22: {  	v3 =	vor.u32 v3, v4  }
0x23: {  	v4 =	vperm.xlane v3, v0;
	_ =	sdelay $0x1  }
0x24: {  	v3 =	vperm.xlane v3, v2;
	v4 =	vadd.s32 v1, v4;
	_ =	sdelay $0x1  }
0x25: {  	v3 =	vadd.s32 v1, v3;
	_ =	sdelay $0x1  }
0x26: {  	s0 =	simm.s32 $0x100  }
0x27: {  	[tilespmem:s0], [sflag:$0x1] =	stream.indirect_vreg.gather [hbm4b:s1+s3], $0x80, v4, vm0, $0xb8;
	[tilespmem:$0x10100] =	vst v63  }
0x28: {  	_ = 	snop  }
0x29: {  	[tilespmem:s18], [sflag:$0x1] =	stream.indirect_vreg.gather [hbm4b:s1+s3], $0x80, v3, vm0, $0xb8;
	[tilespmem:$0x10100] =	vst v63  }
0x2a: {  	v3 =	vld [tilespmem:$0x10];
	_ =	sdelay $0x4  }
0x2b: {  	v33 =	vshll.u32 v3, $0x1  }
0x2c: {  	v3 =	vand.u32 $0x7, v3;
	v4 =	vand.u32 $0xFFFFFFF0, v33  }
0x2d: {  	v3 =	vor.u32 v3, v4  }
0x2e: {  	v4 =	vperm.xlane v3, v0;
	_ =	sdelay $0x1  }
0x2f: {  	v3 =	vperm.xlane v3, v2;
	v4 =	vadd.s32 v1, v4;
	_ =	sdelay $0x1  }
0x30: {  	v3 =	vadd.s32 v1, v3;
	_ =	sdelay $0x2  }
0x31: {  	[tilespmem:s19], [sflag:$0x1] =	stream.indirect_vreg.gather [hbm4b:s1+s3], $0x80, v4, vm0, $0xb8;
	[tilespmem:$0x10100] =	vst v63  }
0x32: {  	_ = 	snop  }
0x33: {  	[tilespmem:s20], [sflag:$0x1] =	stream.indirect_vreg.gather [hbm4b:s1+s3], $0x80, v3, vm0, $0xb8;
	[tilespmem:$0x10100] =	vst v63  }
0x34: {  	v3 =	vld [tilespmem:$0x20];
	_ =	sdelay $0x4  }
0x35: {  	v34 =	vshll.u32 v3, $0x1  }
0x36: {  	v3 =	vand.u32 $0x7, v3;
	v4 =	vand.u32 $0xFFFFFFF0, v34  }
0x37: {  	v3 =	vor.u32 v3, v4  }
0x38: {  	v4 =	vperm.xlane v3, v0;
	_ =	sdelay $0x1  }
0x39: {  	v3 =	vperm.xlane v3, v2;
	v4 =	vadd.s32 v1, v4;
	_ =	sdelay $0x1  }
0x3a: {  	v3 =	vadd.s32 v1, v3;
	_ =	sdelay $0x2  }
0x3b: {  	[tilespmem:s21], [sflag:$0x1] =	stream.indirect_vreg.gather [hbm4b:s1+s3], $0x80, v4, vm0, $0xb8;
	[tilespmem:$0x10100] =	vst v63  }
0x3c: {  	_ = 	snop  }
0x3d: {  	[tilespmem:s22], [sflag:$0x1] =	stream.indirect_vreg.gather [hbm4b:s1+s3], $0x80, v3, vm0, $0xb8;
	[tilespmem:$0x10100] =	vst v63  }
0x3e: {  	v3 =	vld [tilespmem:$0x30];
	_ =	sdelay $0x4  }
0x3f: {  	v35 =	vshll.u32 v3, $0x1  }
0x40: {  	v3 =	vand.u32 $0x7, v3;
	v4 =	vand.u32 $0xFFFFFFF0, v35  }
0x41: {  	v3 =	vor.u32 v3, v4  }
0x42: {  	v4 =	vperm.xlane v3, v0;
	_ =	sdelay $0x1  }
0x43: {  	v3 =	vperm.xlane v3, v2;
	v4 =	vadd.s32 v1, v4;
	_ =	sdelay $0x1  }
0x44: {  	v3 =	vadd.s32 v1, v3;
	_ =	sdelay $0x2  }
0x45: {  	[tilespmem:s24], [sflag:$0x1] =	stream.indirect_vreg.gather [hbm4b:s1+s3], $0x80, v4, vm0, $0xb8;
	[tilespmem:$0x10100] =	vst v63  }
0x46: {  	_ = 	snop  }
0x47: {  	[tilespmem:s25], [sflag:$0x1] =	stream.indirect_vreg.gather [hbm4b:s1+s3], $0x80, v3, vm0, $0xb8;
	[tilespmem:$0x10100] =	vst v63  }
0x48: {  	v3 =	vld [tilespmem:$0x40];
	_ =	sdelay $0x4  }
0x49: {  	v36 =	vshll.u32 v3, $0x1  }
0x4a: {  	v3 =	vand.u32 $0x7, v3;
	v4 =	vand.u32 $0xFFFFFFF0, v36  }
0x4b: {  	v3 =	vor.u32 v3, v4  }
0x4c: {  	v4 =	vperm.xlane v3, v0;
	_ =	sdelay $0x1  }
0x4d: {  	v3 =	vperm.xlane v3, v2;
	v4 =	vadd.s32 v1, v4;
	_ =	sdelay $0x1  }
0x4e: {  	v3 =	vadd.s32 v1, v3;
	_ =	sdelay $0x2  }
0x4f: {  	[tilespmem:s26], [sflag:$0x1] =	stream.indirect_vreg.gather [hbm4b:s1+s3], $0x80, v4, vm0, $0xb8;
	[tilespmem:$0x10100] =	vst v63  }
0x50: {  	_ = 	snop  }
0x51: {  	[tilespmem:s28], [sflag:$0x1] =	stream.indirect_vreg.gather [hbm4b:s1+s3], $0x80, v3, vm0, $0xb8;
	[tilespmem:$0x10100] =	vst v63  }
0x52: {  	v3 =	vld [tilespmem:$0x50];
	_ =	sdelay $0x4  }
0x53: {  	v37 =	vshll.u32 v3, $0x1  }
0x54: {  	v3 =	vand.u32 $0x7, v3;
	v4 =	vand.u32 $0xFFFFFFF0, v37  }
0x55: {  	v3 =	vor.u32 v3, v4  }
0x56: {  	v4 =	vperm.xlane v3, v0;
	_ =	sdelay $0x1  }
0x57: {  	v3 =	vperm.xlane v3, v2;
	v4 =	vadd.s32 v1, v4;
	_ =	sdelay $0x1  }
0x58: {  	v3 =	vadd.s32 v1, v3;
	_ =	sdelay $0x2  }
0x59: {  	[tilespmem:s29], [sflag:$0x1] =	stream.indirect_vreg.gather [hbm4b:s1+s3], $0x80, v4, vm0, $0xb8;
	[tilespmem:$0x10100] =	vst v63  }
0x5a: {  	_ = 	snop  }
0x5b: {  	[tilespmem:s30], [sflag:$0x1] =	stream.indirect_vreg.gather [hbm4b:s1+s3], $0x80, v3, vm0, $0xb8;
	[tilespmem:$0x10100] =	vst v63  }
0x5c: {  	v3 =	vld [tilespmem:$0x60];
	_ =	sdelay $0x4  }
0x5d: {  	v38 =	vshll.u32 v3, $0x1  }
0x5e: {  	v3 =	vand.u32 $0x7, v3;
	v4 =	vand.u32 $0xFFFFFFF0, v38  }
0x5f: {  	v3 =	vor.u32 v3, v4  }
0x60: {  	v4 =	vperm.xlane v3, v0;
	_ =	sdelay $0x1  }
0x61: {  	v3 =	vperm.xlane v3, v2;
	v4 =	vadd.s32 v1, v4;
	_ =	sdelay $0x1  }
0x62: {  	v3 =	vadd.s32 v1, v3;
	_ =	sdelay $0x2  }
0x63: {  	[tilespmem:s31], [sflag:$0x1] =	stream.indirect_vreg.gather [hbm4b:s1+s3], $0x80, v4, vm0, $0xb8;
	[tilespmem:$0x10100] =	vst v63  }
0x64: {  	_ = 	snop  }
0x65: {  	[tilespmem:s6], [sflag:$0x1] =	stream.indirect_vreg.gather [hbm4b:s1+s3], $0x80, v3, vm0, $0xb8;
	[tilespmem:$0x10100] =	vst v63  }
0x66: {  	v3 =	vld [tilespmem:$0x70];
	_ =	sdelay $0x4  }
0x67: {  	v39 =	vshll.u32 v3, $0x1  }
0x68: {  	v3 =	vand.u32 $0x7, v3;
	v4 =	vand.u32 $0xFFFFFFF0, v39  }
0x69: {  	v3 =	vor.u32 v3, v4  }
0x6a: {  	v4 =	vperm.xlane v3, v0;
	_ =	sdelay $0x1  }
0x6b: {  	v3 =	vperm.xlane v3, v2;
	v4 =	vadd.s32 v1, v4;
	_ =	sdelay $0x1  }
0x6c: {  	v3 =	vadd.s32 v1, v3;
	_ =	sdelay $0x1  }
0x6d: {  	s2 =	simm.s32 $0x7100  }
0x6e: {  	[tilespmem:s2], [sflag:$0x1] =	stream.indirect_vreg.gather [hbm4b:s1+s3], $0x80, v4, vm0, $0xb8;
	[tilespmem:$0x10100] =	vst v63  }
0x6f: {  	_ = 	snop  }
0x70: {  	[tilespmem:s7], [sflag:$0x1] =	stream.indirect_vreg.gather [hbm4b:s1+s3], $0x80, v3, vm0, $0xb8;
	[tilespmem:$0x10100] =	vst v63  }
0x71: {  	s13 =	simm.s32 $0x80;
	s0 =	rddreg [dreg:$0x5]  }
0x72: {  	[tilespmem:s13], [sflag:$0x5] =	stream.linear.gather [hbm4b:s0+s3], $0x80, $0x38;
	[tilespmem:$0x10100] =	vst v63  }
0x73: {  	_ =	swait.ge [sflag:s5], $0x80  }
0x74: {  	[sflag:s5] =	ssyncset.done $0x0  }
0x75: {  	[sflag:s5] =	ssyncadd.s32 $0xFFFFFF80  }
0x76: {  	v3 =	vld [tilespmem:$0x80];
	_ =	sdelay $0x4  }
0x77: {  	v40 =	vshll.u32 v3, $0x1  }
0x78: {  	v3 =	vand.u32 $0x7, v3;
	v4 =	vand.u32 $0xFFFFFFF0, v40  }
0x79: {  	v3 =	vor.u32 v3, v4  }
0x7a: {  	v4 =	vperm.xlane v3, v0;
	_ =	sdelay $0x1  }
0x7b: {  	v3 =	vperm.xlane v3, v2;
	v4 =	vadd.s32 v1, v4;
	_ =	sdelay $0x1  }
0x7c: {  	v3 =	vadd.s32 v1, v3;
	_ =	sdelay $0x1  }
0x7d: {  	s0 =	simm.s32 $0x8100  }
0x7e: {  	[tilespmem:s0], [sflag:$0x2] =	stream.indirect_vreg.gather [hbm4b:s1+s3], $0x80, v4, vm0, $0xb8;
	[tilespmem:$0x10100] =	vst v63  }
0x7f: {  	_ = 	snop  }
0x80: {  	[tilespmem:s9], [sflag:$0x2] =	stream.indirect_vreg.gather [hbm4b:s1+s3], $0x80, v3, vm0, $0xb8;
	[tilespmem:$0x10100] =	vst v63  }
0x81: {  	v3 =	vld [tilespmem:$0x90];
	_ =	sdelay $0x4  }
0x82: {  	v41 =	vshll.u32 v3, $0x1  }
0x83: {  	v3 =	vand.u32 $0x7, v3;
	v4 =	vand.u32 $0xFFFFFFF0, v41  }
0x84: {  	v3 =	vor.u32 v3, v4  }
0x85: {  	v4 =	vperm.xlane v3, v0;
	_ =	sdelay $0x1  }
0x86: {  	v3 =	vperm.xlane v3, v2;
	v4 =	vadd.s32 v1, v4;
	_ =	sdelay $0x1  }
0x87: {  	v3 =	vadd.s32 v1, v3;
	_ =	sdelay $0x2  }
0x88: {  	[tilespmem:s10], [sflag:$0x2] =	stream.indirect_vreg.gather [hbm4b:s1+s3], $0x80, v4, vm0, $0xb8;
	[tilespmem:$0x10100] =	vst v63  }
0x89: {  	_ = 	snop  }
0x8a: {  	[tilespmem:s11], [sflag:$0x2] =	stream.indirect_vreg.gather [hbm4b:s1+s3], $0x80, v3, vm0, $0xb8;
	[tilespmem:$0x10100] =	vst v63  }
0x8b: {  	v3 =	vld [tilespmem:$0xA0];
	_ =	sdelay $0x4  }
0x8c: {  	v42 =	vshll.u32 v3, $0x1  }
0x8d: {  	v3 =	vand.u32 $0x7, v3;
	v4 =	vand.u32 $0xFFFFFFF0, v42  }
0x8e: {  	v3 =	vor.u32 v3, v4  }
0x8f: {  	v4 =	vperm.xlane v3, v0;
	_ =	sdelay $0x1  }
0x90: {  	v3 =	vperm.xlane v3, v2;
	v4 =	vadd.s32 v1, v4;
	_ =	sdelay $0x1  }
0x91: {  	v3 =	vadd.s32 v1, v3;
	_ =	sdelay $0x2  }
0x92: {  	[tilespmem:s12], [sflag:$0x2] =	stream.indirect_vreg.gather [hbm4b:s1+s3], $0x80, v4, vm0, $0xb8;
	[tilespmem:$0x10100] =	vst v63  }
0x93: {  	_ = 	snop  }
0x94: {  	[tilespmem:s23], [sflag:$0x2] =	stream.indirect_vreg.gather [hbm4b:s1+s3], $0x80, v3, vm0, $0xb8;
	[tilespmem:$0x10100] =	vst v63  }
0x95: {  	v3 =	vld [tilespmem:$0xB0];
	_ =	sdelay $0x4  }
0x96: {  	v43 =	vshll.u32 v3, $0x1  }
0x97: {  	v3 =	vand.u32 $0x7, v3;
	v4 =	vand.u32 $0xFFFFFFF0, v43  }
0x98: {  	v3 =	vor.u32 v3, v4  }
0x99: {  	v4 =	vperm.xlane v3, v0;
	_ =	sdelay $0x1  }
0x9a: {  	v3 =	vperm.xlane v3, v2;
	v4 =	vadd.s32 v1, v4;
	_ =	sdelay $0x1  }
0x9b: {  	v3 =	vadd.s32 v1, v3;
	_ =	sdelay $0x1  }
0x9c: {  	s13 =	simm.s32 $0xB100  }
0x9d: {  	[tilespmem:s13], [sflag:$0x2] =	stream.indirect_vreg.gather [hbm4b:s1+s3], $0x80, v4, vm0, $0xb8;
	[tilespmem:$0x10100] =	vst v63  }
0x9e: {  	s17 =	simm.s32 $0xB900  }
0x9f: {  	[tilespmem:s17], [sflag:$0x2] =	stream.indirect_vreg.gather [hbm4b:s1+s3], $0x80, v3, vm0, $0xb8;
	[tilespmem:$0x10100] =	vst v63  }
0xa0: {  	v3 =	vld [tilespmem:$0xC0];
	_ =	sdelay $0x4  }
0xa1: {  	v44 =	vshll.u32 v3, $0x1  }
0xa2: {  	v3 =	vand.u32 $0x7, v3;
	v4 =	vand.u32 $0xFFFFFFF0, v44  }
0xa3: {  	v3 =	vor.u32 v3, v4  }
0xa4: {  	v4 =	vperm.xlane v3, v0;
	_ =	sdelay $0x1  }
0xa5: {  	v3 =	vperm.xlane v3, v2;
	v4 =	vadd.s32 v1, v4;
	_ =	sdelay $0x1  }
0xa6: {  	v3 =	vadd.s32 v1, v3;
	_ =	sdelay $0x1  }
0xa7: {  	s17 =	simm.s32 $0xC100  }
0xa8: {  	[tilespmem:s17], [sflag:$0x2] =	stream.indirect_vreg.gather [hbm4b:s1+s3], $0x80, v4, vm0, $0xb8;
	[tilespmem:$0x10100] =	vst v63  }
0xa9: {  	s17 =	simm.s32 $0xC900  }
0xaa: {  	[tilespmem:s17], [sflag:$0x2] =	stream.indirect_vreg.gather [hbm4b:s1+s3], $0x80, v3, vm0, $0xb8;
	[tilespmem:$0x10100] =	vst v63  }
0xab: {  	v3 =	vld [tilespmem:$0xD0];
	_ =	sdelay $0x4  }
0xac: {  	v45 =	vshll.u32 v3, $0x1  }
0xad: {  	v3 =	vand.u32 $0x7, v3;
	v4 =	vand.u32 $0xFFFFFFF0, v45  }
0xae: {  	v3 =	vor.u32 v3, v4  }
0xaf: {  	v4 =	vperm.xlane v3, v0;
	_ =	sdelay $0x1  }
0xb0: {  	v3 =	vperm.xlane v3, v2;
	v4 =	vadd.s32 v1, v4;
	_ =	sdelay $0x1  }
0xb1: {  	v3 =	vadd.s32 v1, v3;
	_ =	sdelay $0x1  }
0xb2: {  	s17 =	simm.s32 $0xD100  }
0xb3: {  	[tilespmem:s17], [sflag:$0x2] =	stream.indirect_vreg.gather [hbm4b:s1+s3], $0x80, v4, vm0, $0xb8;
	[tilespmem:$0x10100] =	vst v63  }
0xb4: {  	s17 =	simm.s32 $0xD900  }
0xb5: {  	[tilespmem:s17], [sflag:$0x2] =	stream.indirect_vreg.gather [hbm4b:s1+s3], $0x80, v3, vm0, $0xb8;
	[tilespmem:$0x10100] =	vst v63  }
0xb6: {  	v3 =	vld [tilespmem:$0xE0];
	_ =	sdelay $0x4  }
0xb7: {  	v46 =	vshll.u32 v3, $0x1  }
0xb8: {  	v3 =	vand.u32 $0x7, v3;
	v4 =	vand.u32 $0xFFFFFFF0, v46  }
0xb9: {  	v3 =	vor.u32 v3, v4  }
0xba: {  	v4 =	vperm.xlane v3, v0;
	_ =	sdelay $0x1  }
0xbb: {  	v3 =	vperm.xlane v3, v2;
	v4 =	vadd.s32 v1, v4;
	_ =	sdelay $0x1  }
0xbc: {  	v3 =	vadd.s32 v1, v3;
	_ =	sdelay $0x1  }
0xbd: {  	s17 =	simm.s32 $0xE100  }
0xbe: {  	[tilespmem:s17], [sflag:$0x2] =	stream.indirect_vreg.gather [hbm4b:s1+s3], $0x80, v4, vm0, $0xb8;
	[tilespmem:$0x10100] =	vst v63  }
0xbf: {  	s17 =	simm.s32 $0xE900  }
0xc0: {  	[tilespmem:s17], [sflag:$0x2] =	stream.indirect_vreg.gather [hbm4b:s1+s3], $0x80, v3, vm0, $0xb8;
	[tilespmem:$0x10100] =	vst v63  }
0xc1: {  	v3 =	vld [tilespmem:$0xF0];
	_ =	sdelay $0x4  }
0xc2: {  	v47 =	vshll.u32 v3, $0x1  }
0xc3: {  	v3 =	vand.u32 $0x7, v3;
	v4 =	vand.u32 $0xFFFFFFF0, v47  }
0xc4: {  	v3 =	vor.u32 v3, v4  }
0xc5: {  	v4 =	vperm.xlane v3, v0;
	_ =	sdelay $0x1  }
0xc6: {  	v3 =	vperm.xlane v3, v2;
	v4 =	vadd.s32 v1, v4;
	_ =	sdelay $0x1  }
0xc7: {  	v3 =	vadd.s32 v1, v3;
	_ =	sdelay $0x1  }
0xc8: {  	s17 =	simm.s32 $0xF100  }
0xc9: {  	[tilespmem:s17], [sflag:$0x2] =	stream.indirect_vreg.gather [hbm4b:s1+s3], $0x80, v4, vm0, $0xb8;
	[tilespmem:$0x10100] =	vst v63  }
0xca: {  	s17 =	simm.s32 $0xF900  }
0xcb: {  	[tilespmem:s17], [sflag:$0x2] =	stream.indirect_vreg.gather [hbm4b:s1+s3], $0x80, v3, vm0, $0xb8;
	[tilespmem:$0x10100] =	vst v63  }
0xcc: {  	_ =	swait.ge [sflag:s8], $0x8000  }
0xcd: {  	[sflag:s8] =	ssyncset.done $0x0  }
0xce: {  	s13 =	simm.s32 $0x100;
	s17 =	rddreg [dreg:$0x6];
	[sflag:s8] =	ssyncadd.s32 $0xFFFF8000  }
0xcf: {  	[hbm4b:s17+s3] =	stream.linear.scatter [tilespmem:s13], [sflag:$0x3], $0x8000, $0x38;
	[tilespmem:$0x10100] =	vst v63  }
0xd0: {  	_ =	swait.ge [sflag:s14], $0x8000  }
0xd1: {  	[sflag:s14] =	ssyncset.done $0x0  }
0xd2: {  	s17 =	rddreg [dreg:$0x7];
	[sflag:s14] =	ssyncadd.s32 $0xFFFF8000  }
0xd3: {  	[tilespmem:s3], [sflag:$0x5] =	stream.linear.gather [hbm4b:s17+s3], $0x80, $0x38;
	[tilespmem:$0x10100] =	vst v63  }
0xd4: {  	_ =	swait.ge [sflag:s5], $0x80  }
0xd5: {  	[sflag:s5] =	ssyncset.done $0x0  }
0xd6: {  	[sflag:s5] =	ssyncadd.s32 $0xFFFFFF80  }
0xd7: {  	v3 =	vld [tilespmem:$0x0];
	_ =	sdelay $0x4  }
0xd8: {  	v48 =	vshll.u32 v3, $0x1  }
0xd9: {  	v3 =	vand.u32 $0x7, v3;
	v4 =	vand.u32 $0xFFFFFFF0, v48  }
0xda: {  	v3 =	vor.u32 v3, v4  }
0xdb: {  	v4 =	vperm.xlane v3, v0;
	_ =	sdelay $0x1  }
0xdc: {  	v3 =	vperm.xlane v3, v2;
	v4 =	vadd.s32 v1, v4;
	_ =	sdelay $0x1  }
0xdd: {  	v3 =	vadd.s32 v1, v3;
	_ =	sdelay $0x2  }
0xde: {  	[tilespmem:s13], [sflag:$0x1] =	stream.indirect_vreg.gather [hbm4b:s1+s3], $0x80, v4, vm0, $0xb8;
	[tilespmem:$0x10100] =	vst v63  }
0xdf: {  	_ = 	snop  }
0xe0: {  	[tilespmem:s18], [sflag:$0x1] =	stream.indirect_vreg.gather [hbm4b:s1+s3], $0x80, v3, vm0, $0xb8;
	[tilespmem:$0x10100] =	vst v63  }
0xe1: {  	v3 =	vld [tilespmem:$0x10];
	_ =	sdelay $0x4  }
0xe2: {  	v49 =	vshll.u32 v3, $0x1  }
0xe3: {  	v3 =	vand.u32 $0x7, v3;
	v4 =	vand.u32 $0xFFFFFFF0, v49  }
0xe4: {  	v3 =	vor.u32 v3, v4  }
0xe5: {  	v4 =	vperm.xlane v3, v0;
	_ =	sdelay $0x1  }
0xe6: {  	v3 =	vperm.xlane v3, v2;
	v4 =	vadd.s32 v1, v4;
	_ =	sdelay $0x1  }
0xe7: {  	v3 =	vadd.s32 v1, v3;
	_ =	sdelay $0x2  }
0xe8: {  	[tilespmem:s19], [sflag:$0x1] =	stream.indirect_vreg.gather [hbm4b:s1+s3], $0x80, v4, vm0, $0xb8;
	[tilespmem:$0x10100] =	vst v63  }
0xe9: {  	_ = 	snop  }
0xea: {  	[tilespmem:s20], [sflag:$0x1] =	stream.indirect_vreg.gather [hbm4b:s1+s3], $0x80, v3, vm0, $0xb8;
	[tilespmem:$0x10100] =	vst v63  }
0xeb: {  	v3 =	vld [tilespmem:$0x20];
	_ =	sdelay $0x4  }
0xec: {  	v50 =	vshll.u32 v3, $0x1  }
0xed: {  	v3 =	vand.u32 $0x7, v3;
	v4 =	vand.u32 $0xFFFFFFF0, v50  }
0xee: {  	v3 =	vor.u32 v3, v4  }
0xef: {  	v4 =	vperm.xlane v3, v0;
	_ =	sdelay $0x1  }
0xf0: {  	v3 =	vperm.xlane v3, v2;
	v4 =	vadd.s32 v1, v4;
	_ =	sdelay $0x1  }
0xf1: {  	v3 =	vadd.s32 v1, v3;
	_ =	sdelay $0x2  }
0xf2: {  	[tilespmem:s21], [sflag:$0x1] =	stream.indirect_vreg.gather [hbm4b:s1+s3], $0x80, v4, vm0, $0xb8;
	[tilespmem:$0x10100] =	vst v63  }
0xf3: {  	_ = 	snop  }
0xf4: {  	[tilespmem:s22], [sflag:$0x1] =	stream.indirect_vreg.gather [hbm4b:s1+s3], $0x80, v3, vm0, $0xb8;
	[tilespmem:$0x10100] =	vst v63  }
0xf5: {  	v3 =	vld [tilespmem:$0x30];
	_ =	sdelay $0x4  }
0xf6: {  	v51 =	vshll.u32 v3, $0x1  }
0xf7: {  	v3 =	vand.u32 $0x7, v3;
	v4 =	vand.u32 $0xFFFFFFF0, v51  }
0xf8: {  	v3 =	vor.u32 v3, v4  }
0xf9: {  	v4 =	vperm.xlane v3, v0;
	_ =	sdelay $0x1  }
0xfa: {  	v3 =	vperm.xlane v3, v2;
	v4 =	vadd.s32 v1, v4;
	_ =	sdelay $0x1  }
0xfb: {  	v3 =	vadd.s32 v1, v3;
	_ =	sdelay $0x2  }
0xfc: {  	[tilespmem:s24], [sflag:$0x1] =	stream.indirect_vreg.gather [hbm4b:s1+s3], $0x80, v4, vm0, $0xb8;
	[tilespmem:$0x10100] =	vst v63  }
0xfd: {  	_ = 	snop  }
0xfe: {  	[tilespmem:s25], [sflag:$0x1] =	stream.indirect_vreg.gather [hbm4b:s1+s3], $0x80, v3, vm0, $0xb8;
	[tilespmem:$0x10100] =	vst v63  }
0xff: {  	v3 =	vld [tilespmem:$0x40];
	_ =	sdelay $0x4  }
0x100: {  	v52 =	vshll.u32 v3, $0x1  }
0x101: {  	v3 =	vand.u32 $0x7, v3;
	v4 =	vand.u32 $0xFFFFFFF0, v52  }
0x102: {  	v3 =	vor.u32 v3, v4  }
0x103: {  	v4 =	vperm.xlane v3, v0;
	_ =	sdelay $0x1  }
0x104: {  	v3 =	vperm.xlane v3, v2;
	v4 =	vadd.s32 v1, v4;
	_ =	sdelay $0x1  }
0x105: {  	v3 =	vadd.s32 v1, v3;
	_ =	sdelay $0x2  }
0x106: {  	[tilespmem:s26], [sflag:$0x1] =	stream.indirect_vreg.gather [hbm4b:s1+s3], $0x80, v4, vm0, $0xb8;
	[tilespmem:$0x10100] =	vst v63  }
0x107: {  	_ = 	snop  }
0x108: {  	[tilespmem:s28], [sflag:$0x1] =	stream.indirect_vreg.gather [hbm4b:s1+s3], $0x80, v3, vm0, $0xb8;
	[tilespmem:$0x10100] =	vst v63  }
0x109: {  	v3 =	vld [tilespmem:$0x50];
	_ =	sdelay $0x4  }
0x10a: {  	v53 =	vshll.u32 v3, $0x1  }
0x10b: {  	v3 =	vand.u32 $0x7, v3;
	v4 =	vand.u32 $0xFFFFFFF0, v53  }
0x10c: {  	v3 =	vor.u32 v3, v4  }
0x10d: {  	v4 =	vperm.xlane v3, v0;
	_ =	sdelay $0x1  }
0x10e: {  	v3 =	vperm.xlane v3, v2;
	v4 =	vadd.s32 v1, v4;
	_ =	sdelay $0x1  }
0x10f: {  	v3 =	vadd.s32 v1, v3;
	_ =	sdelay $0x2  }
0x110: {  	[tilespmem:s29], [sflag:$0x1] =	stream.indirect_vreg.gather [hbm4b:s1+s3], $0x80, v4, vm0, $0xb8;
	[tilespmem:$0x10100] =	vst v63  }
0x111: {  	_ = 	snop  }
0x112: {  	[tilespmem:s30], [sflag:$0x1] =	stream.indirect_vreg.gather [hbm4b:s1+s3], $0x80, v3, vm0, $0xb8;
	[tilespmem:$0x10100] =	vst v63  }
0x113: {  	v3 =	vld [tilespmem:$0x60];
	_ =	sdelay $0x4  }
0x114: {  	v54 =	vshll.u32 v3, $0x1  }
0x115: {  	v3 =	vand.u32 $0x7, v3;
	v4 =	vand.u32 $0xFFFFFFF0, v54  }
0x116: {  	v3 =	vor.u32 v3, v4  }
0x117: {  	v4 =	vperm.xlane v3, v0;
	_ =	sdelay $0x1  }
0x118: {  	v3 =	vperm.xlane v3, v2;
	v4 =	vadd.s32 v1, v4;
	_ =	sdelay $0x1  }
0x119: {  	v3 =	vadd.s32 v1, v3;
	_ =	sdelay $0x2  }
0x11a: {  	[tilespmem:s31], [sflag:$0x1] =	stream.indirect_vreg.gather [hbm4b:s1+s3], $0x80, v4, vm0, $0xb8;
	[tilespmem:$0x10100] =	vst v63  }
0x11b: {  	_ = 	snop  }
0x11c: {  	[tilespmem:s6], [sflag:$0x1] =	stream.indirect_vreg.gather [hbm4b:s1+s3], $0x80, v3, vm0, $0xb8;
	[tilespmem:$0x10100] =	vst v63  }
0x11d: {  	v3 =	vld [tilespmem:$0x70];
	_ =	sdelay $0x4  }
0x11e: {  	v55 =	vshll.u32 v3, $0x1  }
0x11f: {  	v3 =	vand.u32 $0x7, v3;
	v4 =	vand.u32 $0xFFFFFFF0, v55  }
0x120: {  	v3 =	vor.u32 v3, v4  }
0x121: {  	v4 =	vperm.xlane v3, v0;
	_ =	sdelay $0x1  }
0x122: {  	v3 =	vperm.xlane v3, v2;
	v4 =	vadd.s32 v1, v4;
	_ =	sdelay $0x1  }
0x123: {  	v3 =	vadd.s32 v1, v3;
	_ =	sdelay $0x2  }
0x124: {  	[tilespmem:s2], [sflag:$0x1] =	stream.indirect_vreg.gather [hbm4b:s1+s3], $0x80, v4, vm0, $0xb8;
	[tilespmem:$0x10100] =	vst v63  }
0x125: {  	_ = 	snop  }
0x126: {  	[tilespmem:s7], [sflag:$0x1] =	stream.indirect_vreg.gather [hbm4b:s1+s3], $0x80, v3, vm0, $0xb8;
	[tilespmem:$0x10100] =	vst v63  }
0x127: {  	_ =	swait.ge [sflag:s15], $0x8000  }
0x128: {  	[sflag:s15] =	ssyncset.done $0x0  }
0x129: {  	s2 =	rddreg [dreg:$0x8];
	[sflag:s15] =	ssyncadd.s32 $0xFFFF8000  }
0x12a: {  	[hbm4b:s2+s3] =	stream.linear.scatter [tilespmem:s0], [sflag:$0x4], $0x8000, $0x38;
	[tilespmem:$0x10100] =	vst v63  }
0x12b: {  	_ =	swait.ge [sflag:s16], $0x8000  }
0x12c: {  	[sflag:s16] =	ssyncset.done $0x0  }
0x12d: {  	s2 =	simm.s32 $0x80;
	s17 =	rddreg [dreg:$0x9];
	[sflag:s16] =	ssyncadd.s32 $0xFFFF8000  }
0x12e: {  	[tilespmem:s2], [sflag:$0x5] =	stream.linear.gather [hbm4b:s17+s3], $0x80, $0x38;
	[tilespmem:$0x10100] =	vst v63  }
0x12f: {  	_ =	swait.ge [sflag:s5], $0x80  }
0x130: {  	[sflag:s5] =	ssyncset.done $0x0  }
0x131: {  	[sflag:s5] =	ssyncadd.s32 $0xFFFFFF80  }
0x132: {  	v3 =	vld [tilespmem:$0x80];
	_ =	sdelay $0x4  }
0x133: {  	v56 =	vshll.u32 v3, $0x1  }
0x134: {  	v3 =	vand.u32 $0x7, v3;
	v4 =	vand.u32 $0xFFFFFFF0, v56  }
0x135: {  	v3 =	vor.u32 v3, v4  }
0x136: {  	v4 =	vperm.xlane v3, v0;
	_ =	sdelay $0x1  }
0x137: {  	v3 =	vperm.xlane v3, v2;
	v4 =	vadd.s32 v1, v4;
	_ =	sdelay $0x1  }
0x138: {  	v3 =	vadd.s32 v1, v3;
	_ =	sdelay $0x2  }
0x139: {  	[tilespmem:s0], [sflag:$0x2] =	stream.indirect_vreg.gather [hbm4b:s1+s3], $0x80, v4, vm0, $0xb8;
	[tilespmem:$0x10100] =	vst v63  }
0x13a: {  	_ = 	snop  }
0x13b: {  	[tilespmem:s9], [sflag:$0x2] =	stream.indirect_vreg.gather [hbm4b:s1+s3], $0x80, v3, vm0, $0xb8;
	[tilespmem:$0x10100] =	vst v63  }
0x13c: {  	v3 =	vld [tilespmem:$0x90];
	_ =	sdelay $0x4  }
0x13d: {  	v57 =	vshll.u32 v3, $0x1  }
0x13e: {  	v3 =	vand.u32 $0x7, v3;
	v4 =	vand.u32 $0xFFFFFFF0, v57  }
0x13f: {  	v3 =	vor.u32 v3, v4  }
0x140: {  	v4 =	vperm.xlane v3, v0;
	_ =	sdelay $0x1  }
0x141: {  	v3 =	vperm.xlane v3, v2;
	v4 =	vadd.s32 v1, v4;
	_ =	sdelay $0x1  }
0x142: {  	v3 =	vadd.s32 v1, v3;
	_ =	sdelay $0x2  }
0x143: {  	[tilespmem:s10], [sflag:$0x2] =	stream.indirect_vreg.gather [hbm4b:s1+s3], $0x80, v4, vm0, $0xb8;
	[tilespmem:$0x10100] =	vst v63  }
0x144: {  	_ = 	snop  }
0x145: {  	[tilespmem:s11], [sflag:$0x2] =	stream.indirect_vreg.gather [hbm4b:s1+s3], $0x80, v3, vm0, $0xb8;
	[tilespmem:$0x10100] =	vst v63  }
0x146: {  	v3 =	vld [tilespmem:$0xA0];
	_ =	sdelay $0x4  }
0x147: {  	v58 =	vshll.u32 v3, $0x1  }
0x148: {  	v3 =	vand.u32 $0x7, v3;
	v4 =	vand.u32 $0xFFFFFFF0, v58  }
0x149: {  	v3 =	vor.u32 v3, v4  }
0x14a: {  	v4 =	vperm.xlane v3, v0;
	_ =	sdelay $0x1  }
0x14b: {  	v3 =	vperm.xlane v3, v2;
	v4 =	vadd.s32 v1, v4;
	_ =	sdelay $0x1  }
0x14c: {  	v3 =	vadd.s32 v1, v3;
	_ =	sdelay $0x2  }
0x14d: {  	[tilespmem:s12], [sflag:$0x2] =	stream.indirect_vreg.gather [hbm4b:s1+s3], $0x80, v4, vm0, $0xb8;
	[tilespmem:$0x10100] =	vst v63  }
0x14e: {  	_ = 	snop  }
0x14f: {  	[tilespmem:s23], [sflag:$0x2] =	stream.indirect_vreg.gather [hbm4b:s1+s3], $0x80, v3, vm0, $0xb8;
	[tilespmem:$0x10100] =	vst v63  }
0x150: {  	v3 =	vld [tilespmem:$0xB0];
	_ =	sdelay $0x4  }
0x151: {  	v59 =	vshll.u32 v3, $0x1  }
0x152: {  	v3 =	vand.u32 $0x7, v3;
	v4 =	vand.u32 $0xFFFFFFF0, v59  }
0x153: {  	v3 =	vor.u32 v3, v4  }
0x154: {  	v4 =	vperm.xlane v3, v0;
	_ =	sdelay $0x1  }
0x155: {  	v3 =	vperm.xlane v3, v2;
	v4 =	vadd.s32 v1, v4;
	_ =	sdelay $0x1  }
0x156: {  	v3 =	vadd.s32 v1, v3;
	_ =	sdelay $0x1  }
0x157: {  	s17 =	simm.s32 $0xB100  }
0x158: {  	[tilespmem:s17], [sflag:$0x2] =	stream.indirect_vreg.gather [hbm4b:s1+s3], $0x80, v4, vm0, $0xb8;
	[tilespmem:$0x10100] =	vst v63  }
0x159: {  	s17 =	simm.s32 $0xB900  }
0x15a: {  	[tilespmem:s17], [sflag:$0x2] =	stream.indirect_vreg.gather [hbm4b:s1+s3], $0x80, v3, vm0, $0xb8;
	[tilespmem:$0x10100] =	vst v63  }
0x15b: {  	v3 =	vld [tilespmem:$0xC0];
	_ =	sdelay $0x4  }
0x15c: {  	v60 =	vshll.u32 v3, $0x1  }
0x15d: {  	v3 =	vand.u32 $0x7, v3;
	v4 =	vand.u32 $0xFFFFFFF0, v60  }
0x15e: {  	v3 =	vor.u32 v3, v4  }
0x15f: {  	v4 =	vperm.xlane v3, v0;
	_ =	sdelay $0x1  }
0x160: {  	v3 =	vperm.xlane v3, v2;
	v4 =	vadd.s32 v1, v4;
	_ =	sdelay $0x1  }
0x161: {  	v3 =	vadd.s32 v1, v3;
	_ =	sdelay $0x1  }
0x162: {  	s17 =	simm.s32 $0xC100  }
0x163: {  	[tilespmem:s17], [sflag:$0x2] =	stream.indirect_vreg.gather [hbm4b:s1+s3], $0x80, v4, vm0, $0xb8;
	[tilespmem:$0x10100] =	vst v63  }
0x164: {  	s17 =	simm.s32 $0xC900  }
0x165: {  	[tilespmem:s17], [sflag:$0x2] =	stream.indirect_vreg.gather [hbm4b:s1+s3], $0x80, v3, vm0, $0xb8;
	[tilespmem:$0x10100] =	vst v63  }
0x166: {  	v3 =	vld [tilespmem:$0xD0];
	_ =	sdelay $0x4  }
0x167: {  	v61 =	vshll.u32 v3, $0x1  }
0x168: {  	v3 =	vand.u32 $0x7, v3;
	v4 =	vand.u32 $0xFFFFFFF0, v61  }
0x169: {  	v3 =	vor.u32 v3, v4  }
0x16a: {  	v4 =	vperm.xlane v3, v0;
	_ =	sdelay $0x1  }
0x16b: {  	v3 =	vperm.xlane v3, v2;
	v4 =	vadd.s32 v1, v4;
	_ =	sdelay $0x1  }
0x16c: {  	v3 =	vadd.s32 v1, v3;
	_ =	sdelay $0x1  }
0x16d: {  	s17 =	simm.s32 $0xD100  }
0x16e: {  	[tilespmem:s17], [sflag:$0x2] =	stream.indirect_vreg.gather [hbm4b:s1+s3], $0x80, v4, vm0, $0xb8;
	[tilespmem:$0x10100] =	vst v63  }
0x16f: {  	s17 =	simm.s32 $0xD900  }
0x170: {  	[tilespmem:s17], [sflag:$0x2] =	stream.indirect_vreg.gather [hbm4b:s1+s3], $0x80, v3, vm0, $0xb8;
	[tilespmem:$0x10100] =	vst v63  }
0x171: {  	v3 =	vld [tilespmem:$0xE0];
	_ =	sdelay $0x4  }
0x172: {  	v62 =	vshll.u32 v3, $0x1  }
0x173: {  	v3 =	vand.u32 $0x7, v3;
	v4 =	vand.u32 $0xFFFFFFF0, v62  }
0x174: {  	v3 =	vor.u32 v3, v4  }
0x175: {  	v4 =	vperm.xlane v3, v0;
	_ =	sdelay $0x1  }
0x176: {  	v3 =	vperm.xlane v3, v2;
	v4 =	vadd.s32 v1, v4;
	_ =	sdelay $0x1  }
0x177: {  	v3 =	vadd.s32 v1, v3;
	_ =	sdelay $0x1  }
0x178: {  	s17 =	simm.s32 $0xE100  }
0x179: {  	[tilespmem:s17], [sflag:$0x2] =	stream.indirect_vreg.gather [hbm4b:s1+s3], $0x80, v4, vm0, $0xb8;
	[tilespmem:$0x10100] =	vst v63  }
0x17a: {  	s17 =	simm.s32 $0xE900  }
0x17b: {  	[tilespmem:s17], [sflag:$0x2] =	stream.indirect_vreg.gather [hbm4b:s1+s3], $0x80, v3, vm0, $0xb8;
	[tilespmem:$0x10100] =	vst v63  }
0x17c: {  	v3 =	vld [tilespmem:$0xF0];
	_ =	sdelay $0x4  }
0x17d: {  	v63 =	vshll.u32 v3, $0x1  }
0x17e: {  	v3 =	vand.u32 $0x7, v3;
	v4 =	vand.u32 $0xFFFFFFF0, v63  }
0x17f: {  	v3 =	vor.u32 v3, v4  }
0x180: {  	v4 =	vperm.xlane v3, v0;
	_ =	sdelay $0x1  }
0x181: {  	v3 =	vperm.xlane v3, v2;
	v4 =	vadd.s32 v1, v4;
	_ =	sdelay $0x1  }
0x182: {  	v3 =	vadd.s32 v1, v3;
	_ =	sdelay $0x1  }
0x183: {  	s17 =	simm.s32 $0xF100  }
0x184: {  	[tilespmem:s17], [sflag:$0x2] =	stream.indirect_vreg.gather [hbm4b:s1+s3], $0x80, v4, vm0, $0xb8;
	[tilespmem:$0x10100] =	vst v63  }
0x185: {  	s17 =	simm.s32 $0xF900  }
0x186: {  	[tilespmem:s17], [sflag:$0x2] =	stream.indirect_vreg.gather [hbm4b:s1+s3], $0x80, v3, vm0, $0xb8;
	[tilespmem:$0x10100] =	vst v63  }
0x187: {  	_ =	swait.ge [sflag:s8], $0x8000  }
0x188: {  	[sflag:s8] =	ssyncset.done $0x0  }
0x189: {  	s13 =	simm.s32 $0x100;
	s2 =	rddreg [dreg:$0xa];
	[sflag:s8] =	ssyncadd.s32 $0xFFFF8000  }
0x18a: {  	[hbm4b:s2+s3] =	stream.linear.scatter [tilespmem:s13], [sflag:$0x3], $0x8000, $0x38;
	[tilespmem:$0x10100] =	vst v63  }
0x18b: {  	_ =	swait.ge [sflag:s15], $0x8000  }
0x18c: {  	[sflag:s15] =	ssyncset.done $0x0  }
0x18d: {  	s13 =	rddreg [dreg:$0xb];
	[sflag:s15] =	ssyncadd.s32 $0xFFFF8000  }
0x18e: {  	[hbm4b:s13+s3] =	stream.linear.scatter [tilespmem:s0], [sflag:$0x4], $0x8000, $0x38;
	[tilespmem:$0x10100] =	vst v63  }
0x18f: {  	p0 =	sne.s32 s4, $0x1;
	_ =	swait.ge [sflag:s14], $0x8000  }
.Ltmp0:
0x190: {  	[sflag:s14] =	ssyncset.done $0x0;
	(pc) =	sbr.rel @p0 .LBB2_1-.Ltmp0, $4  }
0x191: {  	[sflag:s14] =	ssyncadd.s32 $0xFFFF8000  }
0x192: {  	_ =	swait.ge [sflag:s16], $0x8000  }
0x193: {  	[sflag:s16] =	ssyncset.done $0x0  }
0x194: {  	s4 =	sadd.s32 $0xFFFFFFFF, s4;
	[sflag:s16] =	ssyncadd.s32 $0xFFFF8000  }
0x195: {  	_ =	sfence.sel $0x180000  }
0x196: {  	[bflag:$0x0] =	sbarrier.arrive $0xFFFF  }
0x197: {  	_ =	strace $0x90000047  }
0x198: {  	s0 =	stileid.u32;
	[bflag:$0x2] =	sbarrier.arrive $0xFFFF  }
0x199: {  	p0 =	sne.s32 s0, $0x0;
	s0 =	rddreg [dreg:$0x3]  }
0x19a: {  	s0 =	sadd.s32 @!p0 $0x100000, s0  }
0x19b: {  	[sflag:s0] =	ssyncadd.tile.s32 @!p0 $0x1;
	_ =	shalt  }
.Lfunc_end2:
_tile_overlayer_lowered:
.L_overlay_start_2:
0x19c: {  	(tag) =	ssettag $0x2  }
0x19d: {  	s0 =	rddreg [dreg:$0x0];
	s2 =	stileid.u32  }
0x19e: {  	s1 =	rddreg [dreg:$0x1];
	p0 =	sne.s32 s2, $0x0  }
0x19f: {  	s3 =	rddreg [dreg:$0x2];
	[bflag:$0x3] =	sbarrier.arrive $0xFFFF;
	s2 =	simm.s32 @!p0 $0x1C05  }
0x1a0: {  	[timem:s3], [sflag:s2] =	dma.local @!p0 [hbm:s0], s1  }
0x1a1: {  	s0 =	simm.s32 @!p0 $0x5  }
0x1a2: {  	_ =	swait.ge @!p0 [sflag:s0], s1  }
0x1a3: {  	s1 =	ssub.s32 @!p0 $0x0, s1;
	[sflag:s0] =	ssyncset.done @!p0 $0x0  }
0x1a4: {  	[sflag:s0] =	ssyncadd.s32 @!p0 s1  }
0x1a5: {  	[bflag:$0x3] =	sbarrier.arrive $0xFFFF  }
0x1a6: {  	_ =	shalt  }

</sc_bundles>
